<compile_context>
chip_gen: v7x
topology: tpu7x:2x2x1
jax: 0.10.2.dev20260603
libtpu: 0.0.44.dev20260713+nightly
codegen_flags: <defaults>
</compile_context>

<pallas_src>
import jax
import jax.numpy as jnp
from jax import lax
from jax.experimental import pallas as pl
from jax.experimental.pallas import tpu as pltpu
from jax.experimental.pallas import tpu_sc as plsc

NC, NS, L = 2, 16, 16
NW = NC * NS
B, T, C = 16384, 200, 12
NQ = 4
QW = B // NQ
NRG = NW // NQ
NCHUNK = T // NRG
SRC = (0, 0, 0, 1, 1, 1, 2, 2, 2, 2, 2, 2)


def _body(date_hbm, *rest):
    tab_hbm = rest[:C]
    out_hbm = rest[C]
    tab_v = rest[C + 1:2 * C + 1]
    in_a, in_b, out_a, out_b, s_ia, s_ib, s_oa, s_ob = rest[2 * C + 1:]
    wid = lax.axis_index("s") * NC + lax.axis_index("c")
    rg = wid // NQ
    b0 = (wid % NQ) * QW
    r_base = rg * NCHUNK

    def in_cp(j, buf, sem):
        return pltpu.make_async_copy(
            date_hbm.at[:, pl.ds(r_base + j, 1), pl.ds(b0, QW)], buf, sem)

    def out_cp(j, buf, sem):
        return pltpu.make_async_copy(
            buf, out_hbm.at[:, pl.ds(r_base + j, 1), pl.ds(b0, QW)], sem)

    def compute(in_v, out_v):
        @plsc.parallel_loop(0, QW // L, 1, unroll=8)
        def _block(g):
            sl = pl.ds(g * L, L)
            d = (in_v[0, 0, sl], in_v[1, 0, sl], in_v[2, 0, sl])
            for c in range(C):
                out_v[c, 0, sl] = plsc.load_gather(tab_v[c], [d[SRC[c]]])

    in_cp(0, in_a, s_ia).start()
    for c in range(C):
        pltpu.make_async_copy(tab_hbm[c], tab_v[c], s_ob).start()
    for c in range(C):
        pltpu.make_async_copy(tab_hbm[c], tab_v[c], s_ob).wait()

    def iter2(jj, carry):
        j = 2 * jj
        in_cp(j, in_a, s_ia).wait()
        in_cp(j + 1, in_b, s_ib).start()

        @pl.when(jj > 0)
        def _():
            out_cp(j - 2, out_a, s_oa).wait()

        compute(in_a, out_a)
        out_cp(j, out_a, s_oa).start()

        in_cp(j + 1, in_b, s_ib).wait()
        in_cp(j + 2, in_a, s_ia).start()

        @pl.when(jj > 0)
        def _():
            out_cp(j - 1, out_b, s_ob).wait()

        compute(in_b, out_b)
        out_cp(j + 1, out_b, s_ob).start()
        return carry

    lax.fori_loop(0, (NCHUNK - 1) // 2, iter2, 0)

    last = NCHUNK - 1
    in_cp(last, in_a, s_ia).wait()
    out_cp(last - 2, out_a, s_oa).wait()
    compute(in_a, out_a)
    out_cp(last, out_a, s_oa).start()
    out_cp(last - 1, out_b, s_ob).wait()
    out_cp(last, out_a, s_oa).wait()


_TAB_LEN = (16, 16, 16, 8, 8, 8, 32, 32, 32, 32, 32, 32)

_sc_call = pl.kernel(
    _body,
    out_type=jax.ShapeDtypeStruct((C, T, B), jnp.float32),
    mesh=plsc.VectorSubcoreMesh(core_axis_name="c", subcore_axis_name="s"),
    compiler_params=pltpu.CompilerParams(needs_layout_passes=False),
    scratch_types=(
        [pltpu.VMEM((n,), jnp.float32) for n in _TAB_LEN]
        + [
            pltpu.VMEM((3, 1, QW), jnp.int32),
            pltpu.VMEM((3, 1, QW), jnp.int32),
            pltpu.VMEM((C, 1, QW), jnp.float32),
            pltpu.VMEM((C, 1, QW), jnp.float32),
            pltpu.SemaphoreType.DMA,
            pltpu.SemaphoreType.DMA,
            pltpu.SemaphoreType.DMA,
            pltpu.SemaphoreType.DMA,
        ]
    ),
)


@jax.jit
def kernel(date, month_table, weekday_table, day_table):
    datep = jnp.transpose(date.astype(jnp.int32), (2, 1, 0))
    cols = []
    for c in range(3):
        cols.append(jnp.pad(month_table[:, c], (0, 3)))
    for c in range(3):
        cols.append(jnp.pad(weekday_table[:, c], (0, 1)))
    for c in range(6):
        cols.append(day_table[:, c])
    out = _sc_call(datep, *cols)
    return jnp.transpose(out, (2, 1, 0))

# --- scband reference (transcript-rebuilt; emitter-appended) ---
"""Pipeline reference for scband-calendar-embedding-81853486727904 (READ-ONLY COPY).

The authoritative reference and input builder live on the scoring server;
editing this copy changes nothing except your own understanding.
"""

import jax, jax.numpy as jnp
import numpy as np


def setup_inputs(seed: int = 0) -> dict:
    key = jax.random.key(seed)
    k_date, k_m, k_w, k_d = jax.random.split(key, 4)
    date = jax.random.randint(k_date, (16384, 200, 3), 0, 7, dtype=jnp.int64)
    month_table = jax.random.normal(k_m, (13, 3), dtype=jnp.float32)
    weekday_table = jax.random.normal(k_w, (7, 3), dtype=jnp.float32)
    day_table = jax.random.normal(k_d, (32, 6), dtype=jnp.float32)
    return {
        "date": date,
        "month_table": month_table,
        "weekday_table": weekday_table,
        "day_table": day_table,
    }


def reference(date, month_table, weekday_table, day_table):
    # embedding lookups == row gathers
    month_vec = jnp.take(month_table, date[:, :, 0], axis=0)
    weekday_vec = jnp.take(weekday_table, date[:, :, 1], axis=0)
    day_vec = jnp.take(day_table, date[:, :, 2], axis=0)
    combined = jnp.concatenate([month_vec, weekday_vec, day_vec], axis=-1)
    return combined

if __name__ == "__main__":
    import jax
    _d = setup_inputs()
    print(jax.jit(kernel)(*tuple(_d.values())))

</pallas_src>

<mosaic_0001>
#map = affine_map<(d0, d1) -> (0, 0, 0)>
#map1 = affine_map<(d0, d1) -> (0)>
module attributes {stable_mosaic.version = 14 : i64} {
  func.func @_body(%arg0: i32, %arg1: i32, %arg2: memref<3x200x16384xi32, #tpu.memory_space<hbm>>, %arg3: memref<16xf32, #tpu.memory_space<hbm>>, %arg4: memref<16xf32, #tpu.memory_space<hbm>>, %arg5: memref<16xf32, #tpu.memory_space<hbm>>, %arg6: memref<8xf32, #tpu.memory_space<hbm>>, %arg7: memref<8xf32, #tpu.memory_space<hbm>>, %arg8: memref<8xf32, #tpu.memory_space<hbm>>, %arg9: memref<32xf32, #tpu.memory_space<hbm>>, %arg10: memref<32xf32, #tpu.memory_space<hbm>>, %arg11: memref<32xf32, #tpu.memory_space<hbm>>, %arg12: memref<32xf32, #tpu.memory_space<hbm>>, %arg13: memref<32xf32, #tpu.memory_space<hbm>>, %arg14: memref<32xf32, #tpu.memory_space<hbm>>, %arg15: memref<12x200x16384xf32, #tpu.memory_space<hbm>>, %arg16: memref<16xf32, #tpu.memory_space<vmem>>, %arg17: memref<16xf32, #tpu.memory_space<vmem>>, %arg18: memref<16xf32, #tpu.memory_space<vmem>>, %arg19: memref<8xf32, #tpu.memory_space<vmem>>, %arg20: memref<8xf32, #tpu.memory_space<vmem>>, %arg21: memref<8xf32, #tpu.memory_space<vmem>>, %arg22: memref<32xf32, #tpu.memory_space<vmem>>, %arg23: memref<32xf32, #tpu.memory_space<vmem>>, %arg24: memref<32xf32, #tpu.memory_space<vmem>>, %arg25: memref<32xf32, #tpu.memory_space<vmem>>, %arg26: memref<32xf32, #tpu.memory_space<vmem>>, %arg27: memref<32xf32, #tpu.memory_space<vmem>>, %arg28: memref<3x1x4096xi32, #tpu.memory_space<vmem>>, %arg29: memref<3x1x4096xi32, #tpu.memory_space<vmem>>, %arg30: memref<12x1x4096xf32, #tpu.memory_space<vmem>>, %arg31: memref<12x1x4096xf32, #tpu.memory_space<vmem>>, %arg32: memref<!tpu.dma_semaphore, #tpu.memory_space<semaphore_mem>>, %arg33: memref<!tpu.dma_semaphore, #tpu.memory_space<semaphore_mem>>, %arg34: memref<!tpu.dma_semaphore, #tpu.memory_space<semaphore_mem>>, %arg35: memref<!tpu.dma_semaphore, #tpu.memory_space<semaphore_mem>>) attributes {dimension_semantics = [#tpu.dimension_semantics<core_parallel>, #tpu.dimension_semantics<subcore_parallel>], iteration_bounds = array<i64: 2, 16>, scalar_prefetch = 0 : i64, scratch_operands = 20 : i64, tpu.core_type = #tpu.core_type<sc_vector_subcore>, window_params = [{transform_indices = #map}, {transform_indices = #map1}, {transform_indices = #map1}, {transform_indices = #map1}, {transform_indices = #map1}, {transform_indices = #map1}, {transform_indices = #map1}, {transform_indices = #map1}, {transform_indices = #map1}, {transform_indices = #map1}, {transform_indices = #map1}, {transform_indices = #map1}, {transform_indices = #map1}, {transform_indices = #map}]} {
    %mul3A = arith.constant 2 : i32
    %mul3A_0 = arith.muli %arg1, %mul3A : i32
    %add3A = arith.addi %mul3A_0, %arg0 : i32
    %jit3A = arith.constant 4 : i32
    %div3A = arith.divsi %add3A, %jit3A : i32
    %sign3A = arith.constant 0 : i32
    %sign3A_1 = arith.cmpi sgt, %add3A, %sign3A : i32
    %sign3A_2 = arith.extui %sign3A_1 : i1 to i32
    %sign3A_3 = arith.constant 0 : i32
    %sign3A_4 = arith.cmpi slt, %add3A, %sign3A_3 : i32
    %sign3A_5 = arith.extui %sign3A_4 : i1 to i32
    %sign3A_6 = arith.subi %sign3A_2, %sign3A_5 : i32
    %sign3A_7 = arith.constant 0 : i32
    %sign3A_8 = arith.cmpi sgt, %jit3A, %sign3A_7 : i32
    %sign3A_9 = arith.extui %sign3A_8 : i1 to i32
    %sign3A_10 = arith.constant 0 : i32
    %sign3A_11 = arith.cmpi slt, %jit3A, %sign3A_10 : i32
    %sign3A_12 = arith.extui %sign3A_11 : i1 to i32
    %sign3A_13 = arith.subi %sign3A_9, %sign3A_12 : i32
    %ne3A = arith.cmpi ne, %sign3A_6, %sign3A_13 : i32
    %rem3A = arith.remsi %add3A, %jit3A : i32
    %ne3A_14 = arith.constant 0 : i32
    %ne3A_15 = arith.cmpi ne, %rem3A, %ne3A_14 : i32
    %and3A = arith.andi %ne3A, %ne3A_15 : i1
    %sub3A = arith.constant 1 : i32
    %sub3A_16 = arith.subi %div3A, %sub3A : i32
    %select_n3A = arith.select %and3A, %sub3A_16, %div3A : i32
    %jit3A_17 = arith.constant 4 : i32
    %eq3A = arith.constant 0 : i32
    %eq3A_18 = arith.cmpi eq, %jit3A_17, %eq3A : i32
    %jit3A_19 = arith.constant 1 : i32
    %select_n3A_20 = arith.select %eq3A_18, %jit3A_19, %jit3A_17 : i32
    %rem3A_21 = arith.remsi %add3A, %select_n3A_20 : i32
    %ne3A_22 = arith.constant 0 : i32
    %ne3A_23 = arith.cmpi ne, %rem3A_21, %ne3A_22 : i32
    %lt3A = arith.constant 0 : i32
    %lt3A_24 = arith.cmpi slt, %rem3A_21, %lt3A : i32
    %lt3A_25 = arith.constant 0 : i32
    %lt3A_26 = arith.cmpi slt, %select_n3A_20, %lt3A_25 : i32
    %ne3A_27 = arith.xori %lt3A_24, %lt3A_26 : i1
    %and3A_28 = arith.andi %ne3A_27, %ne3A_23 : i1
    %add3A_29 = arith.addi %rem3A_21, %select_n3A_20 : i32
    %select_n3A_30 = arith.select %and3A_28, %add3A_29, %rem3A_21 : i32
    %mul3A_31 = arith.constant 4096 : i32
    %mul3A_32 = arith.muli %select_n3A_30, %mul3A_31 : i32
    %mul3A_33 = arith.constant 25 : i32
    %mul3A_34 = arith.muli %select_n3A, %mul3A_33 : i32
    %add3A_35 = arith.constant 0 : i32
    %add3A_36 = arith.addi %mul3A_34, %add3A_35 : i32
    %dma_start3A = arith.constant 0 : i32
    %dma_start3A_37 = tpu.memref_slice %arg2[%dma_start3A, %add3A_36, %mul3A_32] : memref<3x200x16384xi32, #tpu.memory_space<hbm>> -> memref<3x1x4096xi32, #tpu.memory_space<hbm>>
    %dma_start3A_38 = arith.constant 0 : i32
    %dma_start3A_39 = tpu.memref_slice %arg2[%dma_start3A_38, %add3A_36, %mul3A_32] : memref<3x200x16384xi32, #tpu.memory_space<hbm>> -> memref<3x1x4096xi32, #tpu.memory_space<hbm>>
    tpu.enqueue_dma source(%dma_start3A_39 : memref<3x1x4096xi32, #tpu.memory_space<hbm>>) target(%arg28 : memref<3x1x4096xi32, #tpu.memory_space<vmem>>) target_semaphore(%arg32 : memref<!tpu.dma_semaphore, #tpu.memory_space<semaphore_mem>>)
    tpu.enqueue_dma source(%arg3 : memref<16xf32, #tpu.memory_space<hbm>>) target(%arg16 : memref<16xf32, #tpu.memory_space<vmem>>) target_semaphore(%arg35 : memref<!tpu.dma_semaphore, #tpu.memory_space<semaphore_mem>>)
    tpu.enqueue_dma source(%arg4 : memref<16xf32, #tpu.memory_space<hbm>>) target(%arg17 : memref<16xf32, #tpu.memory_space<vmem>>) target_semaphore(%arg35 : memref<!tpu.dma_semaphore, #tpu.memory_space<semaphore_mem>>)
    tpu.enqueue_dma source(%arg5 : memref<16xf32, #tpu.memory_space<hbm>>) target(%arg18 : memref<16xf32, #tpu.memory_space<vmem>>) target_semaphore(%arg35 : memref<!tpu.dma_semaphore, #tpu.memory_space<semaphore_mem>>)
    tpu.enqueue_dma source(%arg6 : memref<8xf32, #tpu.memory_space<hbm>>) target(%arg19 : memref<8xf32, #tpu.memory_space<vmem>>) target_semaphore(%arg35 : memref<!tpu.dma_semaphore, #tpu.memory_space<semaphore_mem>>)
    tpu.enqueue_dma source(%arg7 : memref<8xf32, #tpu.memory_space<hbm>>) target(%arg20 : memref<8xf32, #tpu.memory_space<vmem>>) target_semaphore(%arg35 : memref<!tpu.dma_semaphore, #tpu.memory_space<semaphore_mem>>)
    tpu.enqueue_dma source(%arg8 : memref<8xf32, #tpu.memory_space<hbm>>) target(%arg21 : memref<8xf32, #tpu.memory_space<vmem>>) target_semaphore(%arg35 : memref<!tpu.dma_semaphore, #tpu.memory_space<semaphore_mem>>)
    tpu.enqueue_dma source(%arg9 : memref<32xf32, #tpu.memory_space<hbm>>) target(%arg22 : memref<32xf32, #tpu.memory_space<vmem>>) target_semaphore(%arg35 : memref<!tpu.dma_semaphore, #tpu.memory_space<semaphore_mem>>)
    tpu.enqueue_dma source(%arg10 : memref<32xf32, #tpu.memory_space<hbm>>) target(%arg23 : memref<32xf32, #tpu.memory_space<vmem>>) target_semaphore(%arg35 : memref<!tpu.dma_semaphore, #tpu.memory_space<semaphore_mem>>)
    tpu.enqueue_dma source(%arg11 : memref<32xf32, #tpu.memory_space<hbm>>) target(%arg24 : memref<32xf32, #tpu.memory_space<vmem>>) target_semaphore(%arg35 : memref<!tpu.dma_semaphore, #tpu.memory_space<semaphore_mem>>)
    tpu.enqueue_dma source(%arg12 : memref<32xf32, #tpu.memory_space<hbm>>) target(%arg25 : memref<32xf32, #tpu.memory_space<vmem>>) target_semaphore(%arg35 : memref<!tpu.dma_semaphore, #tpu.memory_space<semaphore_mem>>)
    tpu.enqueue_dma source(%arg13 : memref<32xf32, #tpu.memory_space<hbm>>) target(%arg26 : memref<32xf32, #tpu.memory_space<vmem>>) target_semaphore(%arg35 : memref<!tpu.dma_semaphore, #tpu.memory_space<semaphore_mem>>)
    tpu.enqueue_dma source(%arg14 : memref<32xf32, #tpu.memory_space<hbm>>) target(%arg27 : memref<32xf32, #tpu.memory_space<vmem>>) target_semaphore(%arg35 : memref<!tpu.dma_semaphore, #tpu.memory_space<semaphore_mem>>)
    tpu.wait_dma2 semaphore(%arg35 : memref<!tpu.dma_semaphore, #tpu.memory_space<semaphore_mem>>) src(%arg3 : memref<16xf32, #tpu.memory_space<hbm>>) dst(%arg16 : memref<16xf32, #tpu.memory_space<vmem>>)
    tpu.wait_dma2 semaphore(%arg35 : memref<!tpu.dma_semaphore, #tpu.memory_space<semaphore_mem>>) src(%arg4 : memref<16xf32, #tpu.memory_space<hbm>>) dst(%arg17 : memref<16xf32, #tpu.memory_space<vmem>>)
    tpu.wait_dma2 semaphore(%arg35 : memref<!tpu.dma_semaphore, #tpu.memory_space<semaphore_mem>>) src(%arg5 : memref<16xf32, #tpu.memory_space<hbm>>) dst(%arg18 : memref<16xf32, #tpu.memory_space<vmem>>)
    tpu.wait_dma2 semaphore(%arg35 : memref<!tpu.dma_semaphore, #tpu.memory_space<semaphore_mem>>) src(%arg6 : memref<8xf32, #tpu.memory_space<hbm>>) dst(%arg19 : memref<8xf32, #tpu.memory_space<vmem>>)
    tpu.wait_dma2 semaphore(%arg35 : memref<!tpu.dma_semaphore, #tpu.memory_space<semaphore_mem>>) src(%arg7 : memref<8xf32, #tpu.memory_space<hbm>>) dst(%arg20 : memref<8xf32, #tpu.memory_space<vmem>>)
    tpu.wait_dma2 semaphore(%arg35 : memref<!tpu.dma_semaphore, #tpu.memory_space<semaphore_mem>>) src(%arg8 : memref<8xf32, #tpu.memory_space<hbm>>) dst(%arg21 : memref<8xf32, #tpu.memory_space<vmem>>)
    tpu.wait_dma2 semaphore(%arg35 : memref<!tpu.dma_semaphore, #tpu.memory_space<semaphore_mem>>) src(%arg9 : memref<32xf32, #tpu.memory_space<hbm>>) dst(%arg22 : memref<32xf32, #tpu.memory_space<vmem>>)
    tpu.wait_dma2 semaphore(%arg35 : memref<!tpu.dma_semaphore, #tpu.memory_space<semaphore_mem>>) src(%arg10 : memref<32xf32, #tpu.memory_space<hbm>>) dst(%arg23 : memref<32xf32, #tpu.memory_space<vmem>>)
    tpu.wait_dma2 semaphore(%arg35 : memref<!tpu.dma_semaphore, #tpu.memory_space<semaphore_mem>>) src(%arg11 : memref<32xf32, #tpu.memory_space<hbm>>) dst(%arg24 : memref<32xf32, #tpu.memory_space<vmem>>)
    tpu.wait_dma2 semaphore(%arg35 : memref<!tpu.dma_semaphore, #tpu.memory_space<semaphore_mem>>) src(%arg12 : memref<32xf32, #tpu.memory_space<hbm>>) dst(%arg25 : memref<32xf32, #tpu.memory_space<vmem>>)
    tpu.wait_dma2 semaphore(%arg35 : memref<!tpu.dma_semaphore, #tpu.memory_space<semaphore_mem>>) src(%arg13 : memref<32xf32, #tpu.memory_space<hbm>>) dst(%arg26 : memref<32xf32, #tpu.memory_space<vmem>>)
    tpu.wait_dma2 semaphore(%arg35 : memref<!tpu.dma_semaphore, #tpu.memory_space<semaphore_mem>>) src(%arg14 : memref<32xf32, #tpu.memory_space<hbm>>) dst(%arg27 : memref<32xf32, #tpu.memory_space<vmem>>)
    %scan3A = arith.constant 0 : i32
    %scan3A_40 = arith.constant 0 : i32
    %scan3A_41 = arith.constant 12 : i32
    %scan3A_42 = arith.addi %scan3A_40, %scan3A_41 : i32
    %scan3A_43 = arith.constant 1 : i32
    scf.for %scan3A_76 = %scan3A_40 to %scan3A_42 step %scan3A_43  : i32 {
      %mul3A_77 = arith.constant 2 : i32
      %mul3A_78 = arith.muli %mul3A_77, %scan3A_76 : i32
      %add3A_79 = arith.addi %mul3A_34, %mul3A_78 : i32
      %dma_wait3A_80 = arith.constant 0 : i32
      %dma_wait3A_81 = tpu.memref_slice %arg2[%dma_wait3A_80, %add3A_79, %mul3A_32] : memref<3x200x16384xi32, #tpu.memory_space<hbm>> -> memref<3x1x4096xi32, #tpu.memory_space<hbm>>
      %dma_wait3A_82 = arith.constant 0 : i32
      %dma_wait3A_83 = tpu.memref_slice %arg2[%dma_wait3A_82, %add3A_79, %mul3A_32] : memref<3x200x16384xi32, #tpu.memory_space<hbm>> -> memref<3x1x4096xi32, #tpu.memory_space<hbm>>
      tpu.wait_dma2 semaphore(%arg32 : memref<!tpu.dma_semaphore, #tpu.memory_space<semaphore_mem>>) src(%dma_wait3A_83 : memref<3x1x4096xi32, #tpu.memory_space<hbm>>) dst(%arg28 : memref<3x1x4096xi32, #tpu.memory_space<vmem>>)
      %add3A_84 = arith.constant 1 : i32
      %add3A_85 = arith.addi %mul3A_78, %add3A_84 : i32
      %add3A_86 = arith.addi %mul3A_34, %add3A_85 : i32
      %dma_start3A_87 = arith.constant 0 : i32
      %dma_start3A_88 = tpu.memref_slice %arg2[%dma_start3A_87, %add3A_86, %mul3A_32] : memref<3x200x16384xi32, #tpu.memory_space<hbm>> -> memref<3x1x4096xi32, #tpu.memory_space<hbm>>
      %dma_start3A_89 = arith.constant 0 : i32
      %dma_start3A_90 = tpu.memref_slice %arg2[%dma_start3A_89, %add3A_86, %mul3A_32] : memref<3x200x16384xi32, #tpu.memory_space<hbm>> -> memref<3x1x4096xi32, #tpu.memory_space<hbm>>
      tpu.enqueue_dma source(%dma_start3A_90 : memref<3x1x4096xi32, #tpu.memory_space<hbm>>) target(%arg29 : memref<3x1x4096xi32, #tpu.memory_space<vmem>>) target_semaphore(%arg33 : memref<!tpu.dma_semaphore, #tpu.memory_space<semaphore_mem>>)
      %gt3A = arith.constant 0 : i32
      %gt3A_91 = arith.cmpi sgt, %scan3A_76, %gt3A : i32
      %convert_element_type3A = arith.extui %gt3A_91 : i1 to i32
      %cond3A = arith.constant 0 : i32
      %cond3A_92 = arith.cmpi ne, %convert_element_type3A, %cond3A : i32
      scf.if %cond3A_92 {
        %sub3A_130 = arith.constant 2 : i32
        %sub3A_131 = arith.subi %mul3A_78, %sub3A_130 : i32
        %add3A_132 = arith.addi %mul3A_34, %sub3A_131 : i32
        %dma_wait3A_133 = arith.constant 0 : i32
        %dma_wait3A_134 = tpu.memref_slice %arg15[%dma_wait3A_133, %add3A_132, %mul3A_32] : memref<12x200x16384xf32, #tpu.memory_space<hbm>> -> memref<12x1x4096xf32, #tpu.memory_space<hbm>>
        %dma_wait3A_135 = arith.constant 0 : i32
        %dma_wait3A_136 = tpu.memref_slice %arg15[%dma_wait3A_135, %add3A_132, %mul3A_32] : memref<12x200x16384xf32, #tpu.memory_space<hbm>> -> memref<12x1x4096xf32, #tpu.memory_space<hbm>>
        tpu.wait_dma2 semaphore(%arg34 : memref<!tpu.dma_semaphore, #tpu.memory_space<semaphore_mem>>) src(%arg30 : memref<12x1x4096xf32, #tpu.memory_space<vmem>>) dst(%dma_wait3A_136 : memref<12x1x4096xf32, #tpu.memory_space<hbm>>)
      } else {
      }
      %parallel_loop3A_93 = arith.constant 0 : i32
      %parallel_loop3A_94 = arith.constant 256 : i32
      %parallel_loop3A_95 = arith.constant 1 : i32
      scf.for %parallel_loop3A_130 = %parallel_loop3A_93 to %parallel_loop3A_94 step %parallel_loop3A_95  : i32 {
        %parallel_loop3A_131 = arith.constant 16 : i32
        %parallel_loop3A_132 = arith.muli %parallel_loop3A_130, %parallel_loop3A_131 : i32
        %parallel_loop3A_133 = arith.constant 0 : i32
        %parallel_loop3A_134 = arith.constant 0 : i32
        %parallel_loop3A_135 = arith.index_cast %parallel_loop3A_133 : i32 to index
        %parallel_loop3A_136 = arith.index_cast %parallel_loop3A_134 : i32 to index
        %parallel_loop3A_137 = arith.index_cast %parallel_loop3A_132 : i32 to index
        %parallel_loop3A_138 = tpu.vector_load %arg28[%parallel_loop3A_135, %parallel_loop3A_136, %parallel_loop3A_137] {strides = array<i32>} : memref<3x1x4096xi32, #tpu.memory_space<vmem>>, vector<16xi32>,
        %parallel_loop3A_139 = arith.constant 1 : i32
        %parallel_loop3A_140 = arith.constant 0 : i32
        %parallel_loop3A_141 = arith.index_cast %parallel_loop3A_139 : i32 to index
        %parallel_loop3A_142 = arith.index_cast %parallel_loop3A_140 : i32 to index
        %parallel_loop3A_143 = arith.index_cast %parallel_loop3A_132 : i32 to index
        %parallel_loop3A_144 = tpu.vector_load %arg28[%parallel_loop3A_141, %parallel_loop3A_142, %parallel_loop3A_143] {strides = array<i32>} : memref<3x1x4096xi32, #tpu.memory_space<vmem>>, vector<16xi32>,
        %parallel_loop3A_145 = arith.constant 2 : i32
        %parallel_loop3A_146 = arith.constant 0 : i32
        %parallel_loop3A_147 = arith.index_cast %parallel_loop3A_145 : i32 to index
        %parallel_loop3A_148 = arith.index_cast %parallel_loop3A_146 : i32 to index
        %parallel_loop3A_149 = arith.index_cast %parallel_loop3A_132 : i32 to index
        %parallel_loop3A_150 = tpu.vector_load %arg28[%parallel_loop3A_147, %parallel_loop3A_148, %parallel_loop3A_149] {strides = array<i32>} : memref<3x1x4096xi32, #tpu.memory_space<vmem>>, vector<16xi32>,
        %parallel_loop3A_151 = tpu.vector_load_idx %arg16[%parallel_loop3A_138] : memref<16xf32, #tpu.memory_space<vmem>>[vector<16xi32>], vector<16xf32>,
        %parallel_loop3A_152 = arith.constant 0 : i32
        %parallel_loop3A_153 = arith.constant 0 : i32
        %parallel_loop3A_154 = arith.index_cast %parallel_loop3A_152 : i32 to index
        %parallel_loop3A_155 = arith.index_cast %parallel_loop3A_153 : i32 to index
        %parallel_loop3A_156 = arith.index_cast %parallel_loop3A_132 : i32 to index
        %parallel_loop3A_157 = tpu.vector_load %arg30[%parallel_loop3A_154, %parallel_loop3A_155, %parallel_loop3A_156] {strides = array<i32>} : memref<12x1x4096xf32, #tpu.memory_space<vmem>>, vector<16xf32>,
        tpu.vector_store %arg30[%parallel_loop3A_154, %parallel_loop3A_155, %parallel_loop3A_156], %parallel_loop3A_151 {strides = array<i32>} : memref<12x1x4096xf32, #tpu.memory_space<vmem>>, vector<16xf32>,
        %parallel_loop3A_158 = tpu.vector_load_idx %arg17[%parallel_loop3A_138] : memref<16xf32, #tpu.memory_space<vmem>>[vector<16xi32>], vector<16xf32>,
        %parallel_loop3A_159 = arith.constant 1 : i32
        %parallel_loop3A_160 = arith.constant 0 : i32
        %parallel_loop3A_161 = arith.index_cast %parallel_loop3A_159 : i32 to index
        %parallel_loop3A_162 = arith.index_cast %parallel_loop3A_160 : i32 to index
        %parallel_loop3A_163 = arith.index_cast %parallel_loop3A_132 : i32 to index
        %parallel_loop3A_164 = tpu.vector_load %arg30[%parallel_loop3A_161, %parallel_loop3A_162, %parallel_loop3A_163] {strides = array<i32>} : memref<12x1x4096xf32, #tpu.memory_space<vmem>>, vector<16xf32>,
        tpu.vector_store %arg30[%parallel_loop3A_161, %parallel_loop3A_162, %parallel_loop3A_163], %parallel_loop3A_158 {strides = array<i32>} : memref<12x1x4096xf32, #tpu.memory_space<vmem>>, vector<16xf32>,
        %parallel_loop3A_165 = tpu.vector_load_idx %arg18[%parallel_loop3A_138] : memref<16xf32, #tpu.memory_space<vmem>>[vector<16xi32>], vector<16xf32>,
        %parallel_loop3A_166 = arith.constant 2 : i32
        %parallel_loop3A_167 = arith.constant 0 : i32
        %parallel_loop3A_168 = arith.index_cast %parallel_loop3A_166 : i32 to index
        %parallel_loop3A_169 = arith.index_cast %parallel_loop3A_167 : i32 to index
        %parallel_loop3A_170 = arith.index_cast %parallel_loop3A_132 : i32 to index
        %parallel_loop3A_171 = tpu.vector_load %arg30[%parallel_loop3A_168, %parallel_loop3A_169, %parallel_loop3A_170] {strides = array<i32>} : memref<12x1x4096xf32, #tpu.memory_space<vmem>>, vector<16xf32>,
        tpu.vector_store %arg30[%parallel_loop3A_168, %parallel_loop3A_169, %parallel_loop3A_170], %parallel_loop3A_165 {strides = array<i32>} : memref<12x1x4096xf32, #tpu.memory_space<vmem>>, vector<16xf32>,
        %parallel_loop3A_172 = tpu.vector_load_idx %arg19[%parallel_loop3A_144] : memref<8xf32, #tpu.memory_space<vmem>>[vector<16xi32>], vector<16xf32>,
        %parallel_loop3A_173 = arith.constant 3 : i32
        %parallel_loop3A_174 = arith.constant 0 : i32
        %parallel_loop3A_175 = arith.index_cast %parallel_loop3A_173 : i32 to index
        %parallel_loop3A_176 = arith.index_cast %parallel_loop3A_174 : i32 to index
        %parallel_loop3A_177 = arith.index_cast %parallel_loop3A_132 : i32 to index
        %parallel_loop3A_178 = tpu.vector_load %arg30[%parallel_loop3A_175, %parallel_loop3A_176, %parallel_loop3A_177] {strides = array<i32>} : memref<12x1x4096xf32, #tpu.memory_space<vmem>>, vector<16xf32>,
        tpu.vector_store %arg30[%parallel_loop3A_175, %parallel_loop3A_176, %parallel_loop3A_177], %parallel_loop3A_172 {strides = array<i32>} : memref<12x1x4096xf32, #tpu.memory_space<vmem>>, vector<16xf32>,
        %parallel_loop3A_179 = tpu.vector_load_idx %arg20[%parallel_loop3A_144] : memref<8xf32, #tpu.memory_space<vmem>>[vector<16xi32>], vector<16xf32>,
        %parallel_loop3A_180 = arith.constant 4 : i32
        %parallel_loop3A_181 = arith.constant 0 : i32
        %parallel_loop3A_182 = arith.index_cast %parallel_loop3A_180 : i32 to index
        %parallel_loop3A_183 = arith.index_cast %parallel_loop3A_181 : i32 to index
        %parallel_loop3A_184 = arith.index_cast %parallel_loop3A_132 : i32 to index
        %parallel_loop3A_185 = tpu.vector_load %arg30[%parallel_loop3A_182, %parallel_loop3A_183, %parallel_loop3A_184] {strides = array<i32>} : memref<12x1x4096xf32, #tpu.memory_space<vmem>>, vector<16xf32>,
        tpu.vector_store %arg30[%parallel_loop3A_182, %parallel_loop3A_183, %parallel_loop3A_184], %parallel_loop3A_179 {strides = array<i32>} : memref<12x1x4096xf32, #tpu.memory_space<vmem>>, vector<16xf32>,
        %parallel_loop3A_186 = tpu.vector_load_idx %arg21[%parallel_loop3A_144] : memref<8xf32, #tpu.memory_space<vmem>>[vector<16xi32>], vector<16xf32>,
        %parallel_loop3A_187 = arith.constant 5 : i32
        %parallel_loop3A_188 = arith.constant 0 : i32
        %parallel_loop3A_189 = arith.index_cast %parallel_loop3A_187 : i32 to index
        %parallel_loop3A_190 = arith.index_cast %parallel_loop3A_188 : i32 to index
        %parallel_loop3A_191 = arith.index_cast %parallel_loop3A_132 : i32 to index
        %parallel_loop3A_192 = tpu.vector_load %arg30[%parallel_loop3A_189, %parallel_loop3A_190, %parallel_loop3A_191] {strides = array<i32>} : memref<12x1x4096xf32, #tpu.memory_space<vmem>>, vector<16xf32>,
        tpu.vector_store %arg30[%parallel_loop3A_189, %parallel_loop3A_190, %parallel_loop3A_191], %parallel_loop3A_186 {strides = array<i32>} : memref<12x1x4096xf32, #tpu.memory_space<vmem>>, vector<16xf32>,
        %parallel_loop3A_193 = tpu.vector_load_idx %arg22[%parallel_loop3A_150] : memref<32xf32, #tpu.memory_space<vmem>>[vector<16xi32>], vector<16xf32>,
        %parallel_loop3A_194 = arith.constant 6 : i32
        %parallel_loop3A_195 = arith.constant 0 : i32
        %parallel_loop3A_196 = arith.index_cast %parallel_loop3A_194 : i32 to index
        %parallel_loop3A_197 = arith.index_cast %parallel_loop3A_195 : i32 to index
        %parallel_loop3A_198 = arith.index_cast %parallel_loop3A_132 : i32 to index
        %parallel_loop3A_199 = tpu.vector_load %arg30[%parallel_loop3A_196, %parallel_loop3A_197, %parallel_loop3A_198] {strides = array<i32>} : memref<12x1x4096xf32, #tpu.memory_space<vmem>>, vector<16xf32>,
        tpu.vector_store %arg30[%parallel_loop3A_196, %parallel_loop3A_197, %parallel_loop3A_198], %parallel_loop3A_193 {strides = array<i32>} : memref<12x1x4096xf32, #tpu.memory_space<vmem>>, vector<16xf32>,
        %parallel_loop3A_200 = tpu.vector_load_idx %arg23[%parallel_loop3A_150] : memref<32xf32, #tpu.memory_space<vmem>>[vector<16xi32>], vector<16xf32>,
        %parallel_loop3A_201 = arith.constant 7 : i32
        %parallel_loop3A_202 = arith.constant 0 : i32
        %parallel_loop3A_203 = arith.index_cast %parallel_loop3A_201 : i32 to index
        %parallel_loop3A_204 = arith.index_cast %parallel_loop3A_202 : i32 to index
        %parallel_loop3A_205 = arith.index_cast %parallel_loop3A_132 : i32 to index
        %parallel_loop3A_206 = tpu.vector_load %arg30[%parallel_loop3A_203, %parallel_loop3A_204, %parallel_loop3A_205] {strides = array<i32>} : memref<12x1x4096xf32, #tpu.memory_space<vmem>>, vector<16xf32>,
        tpu.vector_store %arg30[%parallel_loop3A_203, %parallel_loop3A_204, %parallel_loop3A_205], %parallel_loop3A_200 {strides = array<i32>} : memref<12x1x4096xf32, #tpu.memory_space<vmem>>, vector<16xf32>,
        %parallel_loop3A_207 = tpu.vector_load_idx %arg24[%parallel_loop3A_150] : memref<32xf32, #tpu.memory_space<vmem>>[vector<16xi32>], vector<16xf32>,
        %parallel_loop3A_208 = arith.constant 8 : i32
        %parallel_loop3A_209 = arith.constant 0 : i32
        %parallel_loop3A_210 = arith.index_cast %parallel_loop3A_208 : i32 to index
        %parallel_loop3A_211 = arith.index_cast %parallel_loop3A_209 : i32 to index
        %parallel_loop3A_212 = arith.index_cast %parallel_loop3A_132 : i32 to index
        %parallel_loop3A_213 = tpu.vector_load %arg30[%parallel_loop3A_210, %parallel_loop3A_211, %parallel_loop3A_212] {strides = array<i32>} : memref<12x1x4096xf32, #tpu.memory_space<vmem>>, vector<16xf32>,
        tpu.vector_store %arg30[%parallel_loop3A_210, %parallel_loop3A_211, %parallel_loop3A_212], %parallel_loop3A_207 {strides = array<i32>} : memref<12x1x4096xf32, #tpu.memory_space<vmem>>, vector<16xf32>,
        %parallel_loop3A_214 = tpu.vector_load_idx %arg25[%parallel_loop3A_150] : memref<32xf32, #tpu.memory_space<vmem>>[vector<16xi32>], vector<16xf32>,
        %parallel_loop3A_215 = arith.constant 9 : i32
        %parallel_loop3A_216 = arith.constant 0 : i32
        %parallel_loop3A_217 = arith.index_cast %parallel_loop3A_215 : i32 to index
        %parallel_loop3A_218 = arith.index_cast %parallel_loop3A_216 : i32 to index
        %parallel_loop3A_219 = arith.index_cast %parallel_loop3A_132 : i32 to index
        %parallel_loop3A_220 = tpu.vector_load %arg30[%parallel_loop3A_217, %parallel_loop3A_218, %parallel_loop3A_219] {strides = array<i32>} : memref<12x1x4096xf32, #tpu.memory_space<vmem>>, vector<16xf32>,
        tpu.vector_store %arg30[%parallel_loop3A_217, %parallel_loop3A_218, %parallel_loop3A_219], %parallel_loop3A_214 {strides = array<i32>} : memref<12x1x4096xf32, #tpu.memory_space<vmem>>, vector<16xf32>,
        %parallel_loop3A_221 = tpu.vector_load_idx %arg26[%parallel_loop3A_150] : memref<32xf32, #tpu.memory_space<vmem>>[vector<16xi32>], vector<16xf32>,
        %parallel_loop3A_222 = arith.constant 10 : i32
        %parallel_loop3A_223 = arith.constant 0 : i32
        %parallel_loop3A_224 = arith.index_cast %parallel_loop3A_222 : i32 to index
        %parallel_loop3A_225 = arith.index_cast %parallel_loop3A_223 : i32 to index
        %parallel_loop3A_226 = arith.index_cast %parallel_loop3A_132 : i32 to index
        %parallel_loop3A_227 = tpu.vector_load %arg30[%parallel_loop3A_224, %parallel_loop3A_225, %parallel_loop3A_226] {strides = array<i32>} : memref<12x1x4096xf32, #tpu.memory_space<vmem>>, vector<16xf32>,
        tpu.vector_store %arg30[%parallel_loop3A_224, %parallel_loop3A_225, %parallel_loop3A_226], %parallel_loop3A_221 {strides = array<i32>} : memref<12x1x4096xf32, #tpu.memory_space<vmem>>, vector<16xf32>,
        %parallel_loop3A_228 = tpu.vector_load_idx %arg27[%parallel_loop3A_150] : memref<32xf32, #tpu.memory_space<vmem>>[vector<16xi32>], vector<16xf32>,
        %parallel_loop3A_229 = arith.constant 11 : i32
        %parallel_loop3A_230 = arith.constant 0 : i32
        %parallel_loop3A_231 = arith.index_cast %parallel_loop3A_229 : i32 to index
        %parallel_loop3A_232 = arith.index_cast %parallel_loop3A_230 : i32 to index
        %parallel_loop3A_233 = arith.index_cast %parallel_loop3A_132 : i32 to index
        %parallel_loop3A_234 = tpu.vector_load %arg30[%parallel_loop3A_231, %parallel_loop3A_232, %parallel_loop3A_233] {strides = array<i32>} : memref<12x1x4096xf32, #tpu.memory_space<vmem>>, vector<16xf32>,
        tpu.vector_store %arg30[%parallel_loop3A_231, %parallel_loop3A_232, %parallel_loop3A_233], %parallel_loop3A_228 {strides = array<i32>} : memref<12x1x4096xf32, #tpu.memory_space<vmem>>, vector<16xf32>,
      } {sc.loop_unroll_factor = 8 : i64, sc.parallel_access}
      %add3A_96 = arith.addi %mul3A_34, %mul3A_78 : i32
      %dma_start3A_97 = arith.constant 0 : i32
      %dma_start3A_98 = tpu.memref_slice %arg15[%dma_start3A_97, %add3A_96, %mul3A_32] : memref<12x200x16384xf32, #tpu.memory_space<hbm>> -> memref<12x1x4096xf32, #tpu.memory_space<hbm>>
      %dma_start3A_99 = arith.constant 0 : i32
      %dma_start3A_100 = tpu.memref_slice %arg15[%dma_start3A_99, %add3A_96, %mul3A_32] : memref<12x200x16384xf32, #tpu.memory_space<hbm>> -> memref<12x1x4096xf32, #tpu.memory_space<hbm>>
      tpu.enqueue_dma source(%arg30 : memref<12x1x4096xf32, #tpu.memory_space<vmem>>) target(%dma_start3A_100 : memref<12x1x4096xf32, #tpu.memory_space<hbm>>) target_semaphore(%arg34 : memref<!tpu.dma_semaphore, #tpu.memory_space<semaphore_mem>>)
      %add3A_101 = arith.constant 1 : i32
      %add3A_102 = arith.addi %mul3A_78, %add3A_101 : i32
      %add3A_103 = arith.addi %mul3A_34, %add3A_102 : i32
      %dma_wait3A_104 = arith.constant 0 : i32
      %dma_wait3A_105 = tpu.memref_slice %arg2[%dma_wait3A_104, %add3A_103, %mul3A_32] : memref<3x200x16384xi32, #tpu.memory_space<hbm>> -> memref<3x1x4096xi32, #tpu.memory_space<hbm>>
      %dma_wait3A_106 = arith.constant 0 : i32
      %dma_wait3A_107 = tpu.memref_slice %arg2[%dma_wait3A_106, %add3A_103, %mul3A_32] : memref<3x200x16384xi32, #tpu.memory_space<hbm>> -> memref<3x1x4096xi32, #tpu.memory_space<hbm>>
      tpu.wait_dma2 semaphore(%arg33 : memref<!tpu.dma_semaphore, #tpu.memory_space<semaphore_mem>>) src(%dma_wait3A_107 : memref<3x1x4096xi32, #tpu.memory_space<hbm>>) dst(%arg29 : memref<3x1x4096xi32, #tpu.memory_space<vmem>>)
      %add3A_108 = arith.constant 2 : i32
      %add3A_109 = arith.addi %mul3A_78, %add3A_108 : i32
      %add3A_110 = arith.addi %mul3A_34, %add3A_109 : i32
      %dma_start3A_111 = arith.constant 0 : i32
      %dma_start3A_112 = tpu.memref_slice %arg2[%dma_start3A_111, %add3A_110, %mul3A_32] : memref<3x200x16384xi32, #tpu.memory_space<hbm>> -> memref<3x1x4096xi32, #tpu.memory_space<hbm>>
      %dma_start3A_113 = arith.constant 0 : i32
      %dma_start3A_114 = tpu.memref_slice %arg2[%dma_start3A_113, %add3A_110, %mul3A_32] : memref<3x200x16384xi32, #tpu.memory_space<hbm>> -> memref<3x1x4096xi32, #tpu.memory_space<hbm>>
      tpu.enqueue_dma source(%dma_start3A_114 : memref<3x1x4096xi32, #tpu.memory_space<hbm>>) target(%arg28 : memref<3x1x4096xi32, #tpu.memory_space<vmem>>) target_semaphore(%arg32 : memref<!tpu.dma_semaphore, #tpu.memory_space<semaphore_mem>>)
      %gt3A_115 = arith.constant 0 : i32
      %gt3A_116 = arith.cmpi sgt, %scan3A_76, %gt3A_115 : i32
      %convert_element_type3A_117 = arith.extui %gt3A_116 : i1 to i32
      %cond3A_118 = arith.constant 0 : i32
      %cond3A_119 = arith.cmpi ne, %convert_element_type3A_117, %cond3A_118 : i32
      scf.if %cond3A_119 {
        %sub3A_130 = arith.constant 1 : i32
        %sub3A_131 = arith.subi %mul3A_78, %sub3A_130 : i32
        %add3A_132 = arith.addi %mul3A_34, %sub3A_131 : i32
        %dma_wait3A_133 = arith.constant 0 : i32
        %dma_wait3A_134 = tpu.memref_slice %arg15[%dma_wait3A_133, %add3A_132, %mul3A_32] : memref<12x200x16384xf32, #tpu.memory_space<hbm>> -> memref<12x1x4096xf32, #tpu.memory_space<hbm>>
        %dma_wait3A_135 = arith.constant 0 : i32
        %dma_wait3A_136 = tpu.memref_slice %arg15[%dma_wait3A_135, %add3A_132, %mul3A_32] : memref<12x200x16384xf32, #tpu.memory_space<hbm>> -> memref<12x1x4096xf32, #tpu.memory_space<hbm>>
        tpu.wait_dma2 semaphore(%arg35 : memref<!tpu.dma_semaphore, #tpu.memory_space<semaphore_mem>>) src(%arg31 : memref<12x1x4096xf32, #tpu.memory_space<vmem>>) dst(%dma_wait3A_136 : memref<12x1x4096xf32, #tpu.memory_space<hbm>>)
      } else {
      }
      %parallel_loop3A_120 = arith.constant 0 : i32
      %parallel_loop3A_121 = arith.constant 256 : i32
      %parallel_loop3A_122 = arith.constant 1 : i32
      scf.for %parallel_loop3A_130 = %parallel_loop3A_120 to %parallel_loop3A_121 step %parallel_loop3A_122  : i32 {
        %parallel_loop3A_131 = arith.constant 16 : i32
        %parallel_loop3A_132 = arith.muli %parallel_loop3A_130, %parallel_loop3A_131 : i32
        %parallel_loop3A_133 = arith.constant 0 : i32
        %parallel_loop3A_134 = arith.constant 0 : i32
        %parallel_loop3A_135 = arith.index_cast %parallel_loop3A_133 : i32 to index
        %parallel_loop3A_136 = arith.index_cast %parallel_loop3A_134 : i32 to index
        %parallel_loop3A_137 = arith.index_cast %parallel_loop3A_132 : i32 to index
        %parallel_loop3A_138 = tpu.vector_load %arg29[%parallel_loop3A_135, %parallel_loop3A_136, %parallel_loop3A_137] {strides = array<i32>} : memref<3x1x4096xi32, #tpu.memory_space<vmem>>, vector<16xi32>,
        %parallel_loop3A_139 = arith.constant 1 : i32
        %parallel_loop3A_140 = arith.constant 0 : i32
        %parallel_loop3A_141 = arith.index_cast %parallel_loop3A_139 : i32 to index
        %parallel_loop3A_142 = arith.index_cast %parallel_loop3A_140 : i32 to index
        %parallel_loop3A_143 = arith.index_cast %parallel_loop3A_132 : i32 to index
        %parallel_loop3A_144 = tpu.vector_load %arg29[%parallel_loop3A_141, %parallel_loop3A_142, %parallel_loop3A_143] {strides = array<i32>} : memref<3x1x4096xi32, #tpu.memory_space<vmem>>, vector<16xi32>,
        %parallel_loop3A_145 = arith.constant 2 : i32
        %parallel_loop3A_146 = arith.constant 0 : i32
        %parallel_loop3A_147 = arith.index_cast %parallel_loop3A_145 : i32 to index
        %parallel_loop3A_148 = arith.index_cast %parallel_loop3A_146 : i32 to index
        %parallel_loop3A_149 = arith.index_cast %parallel_loop3A_132 : i32 to index
        %parallel_loop3A_150 = tpu.vector_load %arg29[%parallel_loop3A_147, %parallel_loop3A_148, %parallel_loop3A_149] {strides = array<i32>} : memref<3x1x4096xi32, #tpu.memory_space<vmem>>, vector<16xi32>,
        %parallel_loop3A_151 = tpu.vector_load_idx %arg16[%parallel_loop3A_138] : memref<16xf32, #tpu.memory_space<vmem>>[vector<16xi32>], vector<16xf32>,
        %parallel_loop3A_152 = arith.constant 0 : i32
        %parallel_loop3A_153 = arith.constant 0 : i32
        %parallel_loop3A_154 = arith.index_cast %parallel_loop3A_152 : i32 to index
        %parallel_loop3A_155 = arith.index_cast %parallel_loop3A_153 : i32 to index
        %parallel_loop3A_156 = arith.index_cast %parallel_loop3A_132 : i32 to index
        %parallel_loop3A_157 = tpu.vector_load %arg31[%parallel_loop3A_154, %parallel_loop3A_155, %parallel_loop3A_156] {strides = array<i32>} : memref<12x1x4096xf32, #tpu.memory_space<vmem>>, vector<16xf32>,
        tpu.vector_store %arg31[%parallel_loop3A_154, %parallel_loop3A_155, %parallel_loop3A_156], %parallel_loop3A_151 {strides = array<i32>} : memref<12x1x4096xf32, #tpu.memory_space<vmem>>, vector<16xf32>,
        %parallel_loop3A_158 = tpu.vector_load_idx %arg17[%parallel_loop3A_138] : memref<16xf32, #tpu.memory_space<vmem>>[vector<16xi32>], vector<16xf32>,
        %parallel_loop3A_159 = arith.constant 1 : i32
        %parallel_loop3A_160 = arith.constant 0 : i32
        %parallel_loop3A_161 = arith.index_cast %parallel_loop3A_159 : i32 to index
        %parallel_loop3A_162 = arith.index_cast %parallel_loop3A_160 : i32 to index
        %parallel_loop3A_163 = arith.index_cast %parallel_loop3A_132 : i32 to index
        %parallel_loop3A_164 = tpu.vector_load %arg31[%parallel_loop3A_161, %parallel_loop3A_162, %parallel_loop3A_163] {strides = array<i32>} : memref<12x1x4096xf32, #tpu.memory_space<vmem>>, vector<16xf32>,
        tpu.vector_store %arg31[%parallel_loop3A_161, %parallel_loop3A_162, %parallel_loop3A_163], %parallel_loop3A_158 {strides = array<i32>} : memref<12x1x4096xf32, #tpu.memory_space<vmem>>, vector<16xf32>,
        %parallel_loop3A_165 = tpu.vector_load_idx %arg18[%parallel_loop3A_138] : memref<16xf32, #tpu.memory_space<vmem>>[vector<16xi32>], vector<16xf32>,
        %parallel_loop3A_166 = arith.constant 2 : i32
        %parallel_loop3A_167 = arith.constant 0 : i32
        %parallel_loop3A_168 = arith.index_cast %parallel_loop3A_166 : i32 to index
        %parallel_loop3A_169 = arith.index_cast %parallel_loop3A_167 : i32 to index
        %parallel_loop3A_170 = arith.index_cast %parallel_loop3A_132 : i32 to index
        %parallel_loop3A_171 = tpu.vector_load %arg31[%parallel_loop3A_168, %parallel_loop3A_169, %parallel_loop3A_170] {strides = array<i32>} : memref<12x1x4096xf32, #tpu.memory_space<vmem>>, vector<16xf32>,
        tpu.vector_store %arg31[%parallel_loop3A_168, %parallel_loop3A_169, %parallel_loop3A_170], %parallel_loop3A_165 {strides = array<i32>} : memref<12x1x4096xf32, #tpu.memory_space<vmem>>, vector<16xf32>,
        %parallel_loop3A_172 = tpu.vector_load_idx %arg19[%parallel_loop3A_144] : memref<8xf32, #tpu.memory_space<vmem>>[vector<16xi32>], vector<16xf32>,
        %parallel_loop3A_173 = arith.constant 3 : i32
        %parallel_loop3A_174 = arith.constant 0 : i32
        %parallel_loop3A_175 = arith.index_cast %parallel_loop3A_173 : i32 to index
        %parallel_loop3A_176 = arith.index_cast %parallel_loop3A_174 : i32 to index
        %parallel_loop3A_177 = arith.index_cast %parallel_loop3A_132 : i32 to index
        %parallel_loop3A_178 = tpu.vector_load %arg31[%parallel_loop3A_175, %parallel_loop3A_176, %parallel_loop3A_177] {strides = array<i32>} : memref<12x1x4096xf32, #tpu.memory_space<vmem>>, vector<16xf32>,
        tpu.vector_store %arg31[%parallel_loop3A_175, %parallel_loop3A_176, %parallel_loop3A_177], %parallel_loop3A_172 {strides = array<i32>} : memref<12x1x4096xf32, #tpu.memory_space<vmem>>, vector<16xf32>,
        %parallel_loop3A_179 = tpu.vector_load_idx %arg20[%parallel_loop3A_144] : memref<8xf32, #tpu.memory_space<vmem>>[vector<16xi32>], vector<16xf32>,
        %parallel_loop3A_180 = arith.constant 4 : i32
        %parallel_loop3A_181 = arith.constant 0 : i32
        %parallel_loop3A_182 = arith.index_cast %parallel_loop3A_180 : i32 to index
        %parallel_loop3A_183 = arith.index_cast %parallel_loop3A_181 : i32 to index
        %parallel_loop3A_184 = arith.index_cast %parallel_loop3A_132 : i32 to index
        %parallel_loop3A_185 = tpu.vector_load %arg31[%parallel_loop3A_182, %parallel_loop3A_183, %parallel_loop3A_184] {strides = array<i32>} : memref<12x1x4096xf32, #tpu.memory_space<vmem>>, vector<16xf32>,
        tpu.vector_store %arg31[%parallel_loop3A_182, %parallel_loop3A_183, %parallel_loop3A_184], %parallel_loop3A_179 {strides = array<i32>} : memref<12x1x4096xf32, #tpu.memory_space<vmem>>, vector<16xf32>,
        %parallel_loop3A_186 = tpu.vector_load_idx %arg21[%parallel_loop3A_144] : memref<8xf32, #tpu.memory_space<vmem>>[vector<16xi32>], vector<16xf32>,
        %parallel_loop3A_187 = arith.constant 5 : i32
        %parallel_loop3A_188 = arith.constant 0 : i32
        %parallel_loop3A_189 = arith.index_cast %parallel_loop3A_187 : i32 to index
        %parallel_loop3A_190 = arith.index_cast %parallel_loop3A_188 : i32 to index
        %parallel_loop3A_191 = arith.index_cast %parallel_loop3A_132 : i32 to index
        %parallel_loop3A_192 = tpu.vector_load %arg31[%parallel_loop3A_189, %parallel_loop3A_190, %parallel_loop3A_191] {strides = array<i32>} : memref<12x1x4096xf32, #tpu.memory_space<vmem>>, vector<16xf32>,
        tpu.vector_store %arg31[%parallel_loop3A_189, %parallel_loop3A_190, %parallel_loop3A_191], %parallel_loop3A_186 {strides = array<i32>} : memref<12x1x4096xf32, #tpu.memory_space<vmem>>, vector<16xf32>,
        %parallel_loop3A_193 = tpu.vector_load_idx %arg22[%parallel_loop3A_150] : memref<32xf32, #tpu.memory_space<vmem>>[vector<16xi32>], vector<16xf32>,
        %parallel_loop3A_194 = arith.constant 6 : i32
        %parallel_loop3A_195 = arith.constant 0 : i32
        %parallel_loop3A_196 = arith.index_cast %parallel_loop3A_194 : i32 to index
        %parallel_loop3A_197 = arith.index_cast %parallel_loop3A_195 : i32 to index
        %parallel_loop3A_198 = arith.index_cast %parallel_loop3A_132 : i32 to index
        %parallel_loop3A_199 = tpu.vector_load %arg31[%parallel_loop3A_196, %parallel_loop3A_197, %parallel_loop3A_198] {strides = array<i32>} : memref<12x1x4096xf32, #tpu.memory_space<vmem>>, vector<16xf32>,
        tpu.vector_store %arg31[%parallel_loop3A_196, %parallel_loop3A_197, %parallel_loop3A_198], %parallel_loop3A_193 {strides = array<i32>} : memref<12x1x4096xf32, #tpu.memory_space<vmem>>, vector<16xf32>,
        %parallel_loop3A_200 = tpu.vector_load_idx %arg23[%parallel_loop3A_150] : memref<32xf32, #tpu.memory_space<vmem>>[vector<16xi32>], vector<16xf32>,
        %parallel_loop3A_201 = arith.constant 7 : i32
        %parallel_loop3A_202 = arith.constant 0 : i32
        %parallel_loop3A_203 = arith.index_cast %parallel_loop3A_201 : i32 to index
        %parallel_loop3A_204 = arith.index_cast %parallel_loop3A_202 : i32 to index
        %parallel_loop3A_205 = arith.index_cast %parallel_loop3A_132 : i32 to index
        %parallel_loop3A_206 = tpu.vector_load %arg31[%parallel_loop3A_203, %parallel_loop3A_204, %parallel_loop3A_205] {strides = array<i32>} : memref<12x1x4096xf32, #tpu.memory_space<vmem>>, vector<16xf32>,
        tpu.vector_store %arg31[%parallel_loop3A_203, %parallel_loop3A_204, %parallel_loop3A_205], %parallel_loop3A_200 {strides = array<i32>} : memref<12x1x4096xf32, #tpu.memory_space<vmem>>, vector<16xf32>,
        %parallel_loop3A_207 = tpu.vector_load_idx %arg24[%parallel_loop3A_150] : memref<32xf32, #tpu.memory_space<vmem>>[vector<16xi32>], vector<16xf32>,
        %parallel_loop3A_208 = arith.constant 8 : i32
        %parallel_loop3A_209 = arith.constant 0 : i32
        %parallel_loop3A_210 = arith.index_cast %parallel_loop3A_208 : i32 to index
        %parallel_loop3A_211 = arith.index_cast %parallel_loop3A_209 : i32 to index
        %parallel_loop3A_212 = arith.index_cast %parallel_loop3A_132 : i32 to index
        %parallel_loop3A_213 = tpu.vector_load %arg31[%parallel_loop3A_210, %parallel_loop3A_211, %parallel_loop3A_212] {strides = array<i32>} : memref<12x1x4096xf32, #tpu.memory_space<vmem>>, vector<16xf32>,
        tpu.vector_store %arg31[%parallel_loop3A_210, %parallel_loop3A_211, %parallel_loop3A_212], %parallel_loop3A_207 {strides = array<i32>} : memref<12x1x4096xf32, #tpu.memory_space<vmem>>, vector<16xf32>,
        %parallel_loop3A_214 = tpu.vector_load_idx %arg25[%parallel_loop3A_150] : memref<32xf32, #tpu.memory_space<vmem>>[vector<16xi32>], vector<16xf32>,
        %parallel_loop3A_215 = arith.constant 9 : i32
        %parallel_loop3A_216 = arith.constant 0 : i32
        %parallel_loop3A_217 = arith.index_cast %parallel_loop3A_215 : i32 to index
        %parallel_loop3A_218 = arith.index_cast %parallel_loop3A_216 : i32 to index
        %parallel_loop3A_219 = arith.index_cast %parallel_loop3A_132 : i32 to index
        %parallel_loop3A_220 = tpu.vector_load %arg31[%parallel_loop3A_217, %parallel_loop3A_218, %parallel_loop3A_219] {strides = array<i32>} : memref<12x1x4096xf32, #tpu.memory_space<vmem>>, vector<16xf32>,
        tpu.vector_store %arg31[%parallel_loop3A_217, %parallel_loop3A_218, %parallel_loop3A_219], %parallel_loop3A_214 {strides = array<i32>} : memref<12x1x4096xf32, #tpu.memory_space<vmem>>, vector<16xf32>,
        %parallel_loop3A_221 = tpu.vector_load_idx %arg26[%parallel_loop3A_150] : memref<32xf32, #tpu.memory_space<vmem>>[vector<16xi32>], vector<16xf32>,
        %parallel_loop3A_222 = arith.constant 10 : i32
        %parallel_loop3A_223 = arith.constant 0 : i32
        %parallel_loop3A_224 = arith.index_cast %parallel_loop3A_222 : i32 to index
        %parallel_loop3A_225 = arith.index_cast %parallel_loop3A_223 : i32 to index
        %parallel_loop3A_226 = arith.index_cast %parallel_loop3A_132 : i32 to index
        %parallel_loop3A_227 = tpu.vector_load %arg31[%parallel_loop3A_224, %parallel_loop3A_225, %parallel_loop3A_226] {strides = array<i32>} : memref<12x1x4096xf32, #tpu.memory_space<vmem>>, vector<16xf32>,
        tpu.vector_store %arg31[%parallel_loop3A_224, %parallel_loop3A_225, %parallel_loop3A_226], %parallel_loop3A_221 {strides = array<i32>} : memref<12x1x4096xf32, #tpu.memory_space<vmem>>, vector<16xf32>,
        %parallel_loop3A_228 = tpu.vector_load_idx %arg27[%parallel_loop3A_150] : memref<32xf32, #tpu.memory_space<vmem>>[vector<16xi32>], vector<16xf32>,
        %parallel_loop3A_229 = arith.constant 11 : i32
        %parallel_loop3A_230 = arith.constant 0 : i32
        %parallel_loop3A_231 = arith.index_cast %parallel_loop3A_229 : i32 to index
        %parallel_loop3A_232 = arith.index_cast %parallel_loop3A_230 : i32 to index
        %parallel_loop3A_233 = arith.index_cast %parallel_loop3A_132 : i32 to index
        %parallel_loop3A_234 = tpu.vector_load %arg31[%parallel_loop3A_231, %parallel_loop3A_232, %parallel_loop3A_233] {strides = array<i32>} : memref<12x1x4096xf32, #tpu.memory_space<vmem>>, vector<16xf32>,
        tpu.vector_store %arg31[%parallel_loop3A_231, %parallel_loop3A_232, %parallel_loop3A_233], %parallel_loop3A_228 {strides = array<i32>} : memref<12x1x4096xf32, #tpu.memory_space<vmem>>, vector<16xf32>,
      } {sc.loop_unroll_factor = 8 : i64, sc.parallel_access}
      %add3A_123 = arith.constant 1 : i32
      %add3A_124 = arith.addi %mul3A_78, %add3A_123 : i32
      %add3A_125 = arith.addi %mul3A_34, %add3A_124 : i32
      %dma_start3A_126 = arith.constant 0 : i32
      %dma_start3A_127 = tpu.memref_slice %arg15[%dma_start3A_126, %add3A_125, %mul3A_32] : memref<12x200x16384xf32, #tpu.memory_space<hbm>> -> memref<12x1x4096xf32, #tpu.memory_space<hbm>>
      %dma_start3A_128 = arith.constant 0 : i32
      %dma_start3A_129 = tpu.memref_slice %arg15[%dma_start3A_128, %add3A_125, %mul3A_32] : memref<12x200x16384xf32, #tpu.memory_space<hbm>> -> memref<12x1x4096xf32, #tpu.memory_space<hbm>>
      tpu.enqueue_dma source(%arg31 : memref<12x1x4096xf32, #tpu.memory_space<vmem>>) target(%dma_start3A_129 : memref<12x1x4096xf32, #tpu.memory_space<hbm>>) target_semaphore(%arg35 : memref<!tpu.dma_semaphore, #tpu.memory_space<semaphore_mem>>)
    }
    %scan3A_44 = arith.constant 12 : i32
    %add3A_45 = arith.constant 24 : i32
    %add3A_46 = arith.addi %mul3A_34, %add3A_45 : i32
    %dma_wait3A = arith.constant 0 : i32
    %dma_wait3A_47 = tpu.memref_slice %arg2[%dma_wait3A, %add3A_46, %mul3A_32] : memref<3x200x16384xi32, #tpu.memory_space<hbm>> -> memref<3x1x4096xi32, #tpu.memory_space<hbm>>
    %dma_wait3A_48 = arith.constant 0 : i32
    %dma_wait3A_49 = tpu.memref_slice %arg2[%dma_wait3A_48, %add3A_46, %mul3A_32] : memref<3x200x16384xi32, #tpu.memory_space<hbm>> -> memref<3x1x4096xi32, #tpu.memory_space<hbm>>
    tpu.wait_dma2 semaphore(%arg32 : memref<!tpu.dma_semaphore, #tpu.memory_space<semaphore_mem>>) src(%dma_wait3A_49 : memref<3x1x4096xi32, #tpu.memory_space<hbm>>) dst(%arg28 : memref<3x1x4096xi32, #tpu.memory_space<vmem>>)
    %add3A_50 = arith.constant 22 : i32
    %add3A_51 = arith.addi %mul3A_34, %add3A_50 : i32
    %dma_wait3A_52 = arith.constant 0 : i32
    %dma_wait3A_53 = tpu.memref_slice %arg15[%dma_wait3A_52, %add3A_51, %mul3A_32] : memref<12x200x16384xf32, #tpu.memory_space<hbm>> -> memref<12x1x4096xf32, #tpu.memory_space<hbm>>
    %dma_wait3A_54 = arith.constant 0 : i32
    %dma_wait3A_55 = tpu.memref_slice %arg15[%dma_wait3A_54, %add3A_51, %mul3A_32] : memref<12x200x16384xf32, #tpu.memory_space<hbm>> -> memref<12x1x4096xf32, #tpu.memory_space<hbm>>
    tpu.wait_dma2 semaphore(%arg34 : memref<!tpu.dma_semaphore, #tpu.memory_space<semaphore_mem>>) src(%arg30 : memref<12x1x4096xf32, #tpu.memory_space<vmem>>) dst(%dma_wait3A_55 : memref<12x1x4096xf32, #tpu.memory_space<hbm>>)
    %parallel_loop3A = arith.constant 0 : i32
    %parallel_loop3A_56 = arith.constant 256 : i32
    %parallel_loop3A_57 = arith.constant 1 : i32
    scf.for %parallel_loop3A_76 = %parallel_loop3A to %parallel_loop3A_56 step %parallel_loop3A_57  : i32 {
      %parallel_loop3A_77 = arith.constant 16 : i32
      %parallel_loop3A_78 = arith.muli %parallel_loop3A_76, %parallel_loop3A_77 : i32
      %parallel_loop3A_79 = arith.constant 0 : i32
      %parallel_loop3A_80 = arith.constant 0 : i32
      %parallel_loop3A_81 = arith.index_cast %parallel_loop3A_79 : i32 to index
      %parallel_loop3A_82 = arith.index_cast %parallel_loop3A_80 : i32 to index
      %parallel_loop3A_83 = arith.index_cast %parallel_loop3A_78 : i32 to index
      %parallel_loop3A_84 = tpu.vector_load %arg28[%parallel_loop3A_81, %parallel_loop3A_82, %parallel_loop3A_83] {strides = array<i32>} : memref<3x1x4096xi32, #tpu.memory_space<vmem>>, vector<16xi32>,
      %parallel_loop3A_85 = arith.constant 1 : i32
      %parallel_loop3A_86 = arith.constant 0 : i32
      %parallel_loop3A_87 = arith.index_cast %parallel_loop3A_85 : i32 to index
      %parallel_loop3A_88 = arith.index_cast %parallel_loop3A_86 : i32 to index
      %parallel_loop3A_89 = arith.index_cast %parallel_loop3A_78 : i32 to index
      %parallel_loop3A_90 = tpu.vector_load %arg28[%parallel_loop3A_87, %parallel_loop3A_88, %parallel_loop3A_89] {strides = array<i32>} : memref<3x1x4096xi32, #tpu.memory_space<vmem>>, vector<16xi32>,
      %parallel_loop3A_91 = arith.constant 2 : i32
      %parallel_loop3A_92 = arith.constant 0 : i32
      %parallel_loop3A_93 = arith.index_cast %parallel_loop3A_91 : i32 to index
      %parallel_loop3A_94 = arith.index_cast %parallel_loop3A_92 : i32 to index
      %parallel_loop3A_95 = arith.index_cast %parallel_loop3A_78 : i32 to index
      %parallel_loop3A_96 = tpu.vector_load %arg28[%parallel_loop3A_93, %parallel_loop3A_94, %parallel_loop3A_95] {strides = array<i32>} : memref<3x1x4096xi32, #tpu.memory_space<vmem>>, vector<16xi32>,
      %parallel_loop3A_97 = tpu.vector_load_idx %arg16[%parallel_loop3A_84] : memref<16xf32, #tpu.memory_space<vmem>>[vector<16xi32>], vector<16xf32>,
      %parallel_loop3A_98 = arith.constant 0 : i32
      %parallel_loop3A_99 = arith.constant 0 : i32
      %parallel_loop3A_100 = arith.index_cast %parallel_loop3A_98 : i32 to index
      %parallel_loop3A_101 = arith.index_cast %parallel_loop3A_99 : i32 to index
      %parallel_loop3A_102 = arith.index_cast %parallel_loop3A_78 : i32 to index
      %parallel_loop3A_103 = tpu.vector_load %arg30[%parallel_loop3A_100, %parallel_loop3A_101, %parallel_loop3A_102] {strides = array<i32>} : memref<12x1x4096xf32, #tpu.memory_space<vmem>>, vector<16xf32>,
      tpu.vector_store %arg30[%parallel_loop3A_100, %parallel_loop3A_101, %parallel_loop3A_102], %parallel_loop3A_97 {strides = array<i32>} : memref<12x1x4096xf32, #tpu.memory_space<vmem>>, vector<16xf32>,
      %parallel_loop3A_104 = tpu.vector_load_idx %arg17[%parallel_loop3A_84] : memref<16xf32, #tpu.memory_space<vmem>>[vector<16xi32>], vector<16xf32>,
      %parallel_loop3A_105 = arith.constant 1 : i32
      %parallel_loop3A_106 = arith.constant 0 : i32
      %parallel_loop3A_107 = arith.index_cast %parallel_loop3A_105 : i32 to index
      %parallel_loop3A_108 = arith.index_cast %parallel_loop3A_106 : i32 to index
      %parallel_loop3A_109 = arith.index_cast %parallel_loop3A_78 : i32 to index
      %parallel_loop3A_110 = tpu.vector_load %arg30[%parallel_loop3A_107, %parallel_loop3A_108, %parallel_loop3A_109] {strides = array<i32>} : memref<12x1x4096xf32, #tpu.memory_space<vmem>>, vector<16xf32>,
      tpu.vector_store %arg30[%parallel_loop3A_107, %parallel_loop3A_108, %parallel_loop3A_109], %parallel_loop3A_104 {strides = array<i32>} : memref<12x1x4096xf32, #tpu.memory_space<vmem>>, vector<16xf32>,
      %parallel_loop3A_111 = tpu.vector_load_idx %arg18[%parallel_loop3A_84] : memref<16xf32, #tpu.memory_space<vmem>>[vector<16xi32>], vector<16xf32>,
      %parallel_loop3A_112 = arith.constant 2 : i32
      %parallel_loop3A_113 = arith.constant 0 : i32
      %parallel_loop3A_114 = arith.index_cast %parallel_loop3A_112 : i32 to index
      %parallel_loop3A_115 = arith.index_cast %parallel_loop3A_113 : i32 to index
      %parallel_loop3A_116 = arith.index_cast %parallel_loop3A_78 : i32 to index
      %parallel_loop3A_117 = tpu.vector_load %arg30[%parallel_loop3A_114, %parallel_loop3A_115, %parallel_loop3A_116] {strides = array<i32>} : memref<12x1x4096xf32, #tpu.memory_space<vmem>>, vector<16xf32>,
      tpu.vector_store %arg30[%parallel_loop3A_114, %parallel_loop3A_115, %parallel_loop3A_116], %parallel_loop3A_111 {strides = array<i32>} : memref<12x1x4096xf32, #tpu.memory_space<vmem>>, vector<16xf32>,
      %parallel_loop3A_118 = tpu.vector_load_idx %arg19[%parallel_loop3A_90] : memref<8xf32, #tpu.memory_space<vmem>>[vector<16xi32>], vector<16xf32>,
      %parallel_loop3A_119 = arith.constant 3 : i32
      %parallel_loop3A_120 = arith.constant 0 : i32
      %parallel_loop3A_121 = arith.index_cast %parallel_loop3A_119 : i32 to index
      %parallel_loop3A_122 = arith.index_cast %parallel_loop3A_120 : i32 to index
      %parallel_loop3A_123 = arith.index_cast %parallel_loop3A_78 : i32 to index
      %parallel_loop3A_124 = tpu.vector_load %arg30[%parallel_loop3A_121, %parallel_loop3A_122, %parallel_loop3A_123] {strides = array<i32>} : memref<12x1x4096xf32, #tpu.memory_space<vmem>>, vector<16xf32>,
      tpu.vector_store %arg30[%parallel_loop3A_121, %parallel_loop3A_122, %parallel_loop3A_123], %parallel_loop3A_118 {strides = array<i32>} : memref<12x1x4096xf32, #tpu.memory_space<vmem>>, vector<16xf32>,
      %parallel_loop3A_125 = tpu.vector_load_idx %arg20[%parallel_loop3A_90] : memref<8xf32, #tpu.memory_space<vmem>>[vector<16xi32>], vector<16xf32>,
      %parallel_loop3A_126 = arith.constant 4 : i32
      %parallel_loop3A_127 = arith.constant 0 : i32
      %parallel_loop3A_128 = arith.index_cast %parallel_loop3A_126 : i32 to index
      %parallel_loop3A_129 = arith.index_cast %parallel_loop3A_127 : i32 to index
      %parallel_loop3A_130 = arith.index_cast %parallel_loop3A_78 : i32 to index
      %parallel_loop3A_131 = tpu.vector_load %arg30[%parallel_loop3A_128, %parallel_loop3A_129, %parallel_loop3A_130] {strides = array<i32>} : memref<12x1x4096xf32, #tpu.memory_space<vmem>>, vector<16xf32>,
      tpu.vector_store %arg30[%parallel_loop3A_128, %parallel_loop3A_129, %parallel_loop3A_130], %parallel_loop3A_125 {strides = array<i32>} : memref<12x1x4096xf32, #tpu.memory_space<vmem>>, vector<16xf32>,
      %parallel_loop3A_132 = tpu.vector_load_idx %arg21[%parallel_loop3A_90] : memref<8xf32, #tpu.memory_space<vmem>>[vector<16xi32>], vector<16xf32>,
      %parallel_loop3A_133 = arith.constant 5 : i32
      %parallel_loop3A_134 = arith.constant 0 : i32
      %parallel_loop3A_135 = arith.index_cast %parallel_loop3A_133 : i32 to index
      %parallel_loop3A_136 = arith.index_cast %parallel_loop3A_134 : i32 to index
      %parallel_loop3A_137 = arith.index_cast %parallel_loop3A_78 : i32 to index
      %parallel_loop3A_138 = tpu.vector_load %arg30[%parallel_loop3A_135, %parallel_loop3A_136, %parallel_loop3A_137] {strides = array<i32>} : memref<12x1x4096xf32, #tpu.memory_space<vmem>>, vector<16xf32>,
      tpu.vector_store %arg30[%parallel_loop3A_135, %parallel_loop3A_136, %parallel_loop3A_137], %parallel_loop3A_132 {strides = array<i32>} : memref<12x1x4096xf32, #tpu.memory_space<vmem>>, vector<16xf32>,
      %parallel_loop3A_139 = tpu.vector_load_idx %arg22[%parallel_loop3A_96] : memref<32xf32, #tpu.memory_space<vmem>>[vector<16xi32>], vector<16xf32>,
      %parallel_loop3A_140 = arith.constant 6 : i32
      %parallel_loop3A_141 = arith.constant 0 : i32
      %parallel_loop3A_142 = arith.index_cast %parallel_loop3A_140 : i32 to index
      %parallel_loop3A_143 = arith.index_cast %parallel_loop3A_141 : i32 to index
      %parallel_loop3A_144 = arith.index_cast %parallel_loop3A_78 : i32 to index
      %parallel_loop3A_145 = tpu.vector_load %arg30[%parallel_loop3A_142, %parallel_loop3A_143, %parallel_loop3A_144] {strides = array<i32>} : memref<12x1x4096xf32, #tpu.memory_space<vmem>>, vector<16xf32>,
      tpu.vector_store %arg30[%parallel_loop3A_142, %parallel_loop3A_143, %parallel_loop3A_144], %parallel_loop3A_139 {strides = array<i32>} : memref<12x1x4096xf32, #tpu.memory_space<vmem>>, vector<16xf32>,
      %parallel_loop3A_146 = tpu.vector_load_idx %arg23[%parallel_loop3A_96] : memref<32xf32, #tpu.memory_space<vmem>>[vector<16xi32>], vector<16xf32>,
      %parallel_loop3A_147 = arith.constant 7 : i32
      %parallel_loop3A_148 = arith.constant 0 : i32
      %parallel_loop3A_149 = arith.index_cast %parallel_loop3A_147 : i32 to index
      %parallel_loop3A_150 = arith.index_cast %parallel_loop3A_148 : i32 to index
      %parallel_loop3A_151 = arith.index_cast %parallel_loop3A_78 : i32 to index
      %parallel_loop3A_152 = tpu.vector_load %arg30[%parallel_loop3A_149, %parallel_loop3A_150, %parallel_loop3A_151] {strides = array<i32>} : memref<12x1x4096xf32, #tpu.memory_space<vmem>>, vector<16xf32>,
      tpu.vector_store %arg30[%parallel_loop3A_149, %parallel_loop3A_150, %parallel_loop3A_151], %parallel_loop3A_146 {strides = array<i32>} : memref<12x1x4096xf32, #tpu.memory_space<vmem>>, vector<16xf32>,
      %parallel_loop3A_153 = tpu.vector_load_idx %arg24[%parallel_loop3A_96] : memref<32xf32, #tpu.memory_space<vmem>>[vector<16xi32>], vector<16xf32>,
      %parallel_loop3A_154 = arith.constant 8 : i32
      %parallel_loop3A_155 = arith.constant 0 : i32
      %parallel_loop3A_156 = arith.index_cast %parallel_loop3A_154 : i32 to index
      %parallel_loop3A_157 = arith.index_cast %parallel_loop3A_155 : i32 to index
      %parallel_loop3A_158 = arith.index_cast %parallel_loop3A_78 : i32 to index
      %parallel_loop3A_159 = tpu.vector_load %arg30[%parallel_loop3A_156, %parallel_loop3A_157, %parallel_loop3A_158] {strides = array<i32>} : memref<12x1x4096xf32, #tpu.memory_space<vmem>>, vector<16xf32>,
      tpu.vector_store %arg30[%parallel_loop3A_156, %parallel_loop3A_157, %parallel_loop3A_158], %parallel_loop3A_153 {strides = array<i32>} : memref<12x1x4096xf32, #tpu.memory_space<vmem>>, vector<16xf32>,
      %parallel_loop3A_160 = tpu.vector_load_idx %arg25[%parallel_loop3A_96] : memref<32xf32, #tpu.memory_space<vmem>>[vector<16xi32>], vector<16xf32>,
      %parallel_loop3A_161 = arith.constant 9 : i32
      %parallel_loop3A_162 = arith.constant 0 : i32
      %parallel_loop3A_163 = arith.index_cast %parallel_loop3A_161 : i32 to index
      %parallel_loop3A_164 = arith.index_cast %parallel_loop3A_162 : i32 to index
      %parallel_loop3A_165 = arith.index_cast %parallel_loop3A_78 : i32 to index
      %parallel_loop3A_166 = tpu.vector_load %arg30[%parallel_loop3A_163, %parallel_loop3A_164, %parallel_loop3A_165] {strides = array<i32>} : memref<12x1x4096xf32, #tpu.memory_space<vmem>>, vector<16xf32>,
      tpu.vector_store %arg30[%parallel_loop3A_163, %parallel_loop3A_164, %parallel_loop3A_165], %parallel_loop3A_160 {strides = array<i32>} : memref<12x1x4096xf32, #tpu.memory_space<vmem>>, vector<16xf32>,
      %parallel_loop3A_167 = tpu.vector_load_idx %arg26[%parallel_loop3A_96] : memref<32xf32, #tpu.memory_space<vmem>>[vector<16xi32>], vector<16xf32>,
      %parallel_loop3A_168 = arith.constant 10 : i32
      %parallel_loop3A_169 = arith.constant 0 : i32
      %parallel_loop3A_170 = arith.index_cast %parallel_loop3A_168 : i32 to index
      %parallel_loop3A_171 = arith.index_cast %parallel_loop3A_169 : i32 to index
      %parallel_loop3A_172 = arith.index_cast %parallel_loop3A_78 : i32 to index
      %parallel_loop3A_173 = tpu.vector_load %arg30[%parallel_loop3A_170, %parallel_loop3A_171, %parallel_loop3A_172] {strides = array<i32>} : memref<12x1x4096xf32, #tpu.memory_space<vmem>>, vector<16xf32>,
      tpu.vector_store %arg30[%parallel_loop3A_170, %parallel_loop3A_171, %parallel_loop3A_172], %parallel_loop3A_167 {strides = array<i32>} : memref<12x1x4096xf32, #tpu.memory_space<vmem>>, vector<16xf32>,
      %parallel_loop3A_174 = tpu.vector_load_idx %arg27[%parallel_loop3A_96] : memref<32xf32, #tpu.memory_space<vmem>>[vector<16xi32>], vector<16xf32>,
      %parallel_loop3A_175 = arith.constant 11 : i32
      %parallel_loop3A_176 = arith.constant 0 : i32
      %parallel_loop3A_177 = arith.index_cast %parallel_loop3A_175 : i32 to index
      %parallel_loop3A_178 = arith.index_cast %parallel_loop3A_176 : i32 to index
      %parallel_loop3A_179 = arith.index_cast %parallel_loop3A_78 : i32 to index
      %parallel_loop3A_180 = tpu.vector_load %arg30[%parallel_loop3A_177, %parallel_loop3A_178, %parallel_loop3A_179] {strides = array<i32>} : memref<12x1x4096xf32, #tpu.memory_space<vmem>>, vector<16xf32>,
      tpu.vector_store %arg30[%parallel_loop3A_177, %parallel_loop3A_178, %parallel_loop3A_179], %parallel_loop3A_174 {strides = array<i32>} : memref<12x1x4096xf32, #tpu.memory_space<vmem>>, vector<16xf32>,
    } {sc.loop_unroll_factor = 8 : i64, sc.parallel_access}
    %add3A_58 = arith.constant 24 : i32
    %add3A_59 = arith.addi %mul3A_34, %add3A_58 : i32
    %dma_start3A_60 = arith.constant 0 : i32
    %dma_start3A_61 = tpu.memref_slice %arg15[%dma_start3A_60, %add3A_59, %mul3A_32] : memref<12x200x16384xf32, #tpu.memory_space<hbm>> -> memref<12x1x4096xf32, #tpu.memory_space<hbm>>
    %dma_start3A_62 = arith.constant 0 : i32
    %dma_start3A_63 = tpu.memref_slice %arg15[%dma_start3A_62, %add3A_59, %mul3A_32] : memref<12x200x16384xf32, #tpu.memory_space<hbm>> -> memref<12x1x4096xf32, #tpu.memory_space<hbm>>
    tpu.enqueue_dma source(%arg30 : memref<12x1x4096xf32, #tpu.memory_space<vmem>>) target(%dma_start3A_63 : memref<12x1x4096xf32, #tpu.memory_space<hbm>>) target_semaphore(%arg34 : memref<!tpu.dma_semaphore, #tpu.memory_space<semaphore_mem>>)
    %add3A_64 = arith.constant 23 : i32
    %add3A_65 = arith.addi %mul3A_34, %add3A_64 : i32
    %dma_wait3A_66 = arith.constant 0 : i32
    %dma_wait3A_67 = tpu.memref_slice %arg15[%dma_wait3A_66, %add3A_65, %mul3A_32] : memref<12x200x16384xf32, #tpu.memory_space<hbm>> -> memref<12x1x4096xf32, #tpu.memory_space<hbm>>
    %dma_wait3A_68 = arith.constant 0 : i32
    %dma_wait3A_69 = tpu.memref_slice %arg15[%dma_wait3A_68, %add3A_65, %mul3A_32] : memref<12x200x16384xf32, #tpu.memory_space<hbm>> -> memref<12x1x4096xf32, #tpu.memory_space<hbm>>
    tpu.wait_dma2 semaphore(%arg35 : memref<!tpu.dma_semaphore, #tpu.memory_space<semaphore_mem>>) src(%arg31 : memref<12x1x4096xf32, #tpu.memory_space<vmem>>) dst(%dma_wait3A_69 : memref<12x1x4096xf32, #tpu.memory_space<hbm>>)
    %add3A_70 = arith.constant 24 : i32
    %add3A_71 = arith.addi %mul3A_34, %add3A_70 : i32
    %dma_wait3A_72 = arith.constant 0 : i32
    %dma_wait3A_73 = tpu.memref_slice %arg15[%dma_wait3A_72, %add3A_71, %mul3A_32] : memref<12x200x16384xf32, #tpu.memory_space<hbm>> -> memref<12x1x4096xf32, #tpu.memory_space<hbm>>
    %dma_wait3A_74 = arith.constant 0 : i32
    %dma_wait3A_75 = tpu.memref_slice %arg15[%dma_wait3A_74, %add3A_71, %mul3A_32] : memref<12x200x16384xf32, #tpu.memory_space<hbm>> -> memref<12x1x4096xf32, #tpu.memory_space<hbm>>
    tpu.wait_dma2 semaphore(%arg34 : memref<!tpu.dma_semaphore, #tpu.memory_space<semaphore_mem>>) src(%arg30 : memref<12x1x4096xf32, #tpu.memory_space<vmem>>) dst(%dma_wait3A_75 : memref<12x1x4096xf32, #tpu.memory_space<hbm>>)
    return
  }
}

</mosaic_0001>

<sc_bundles>
// kernel: kernel.3.cloned.1.call-start
scs
__scs_entry_jumppad:
0x0: {  	(pc) =	sbr.rel $0x88, $3  }
0x1: {  	(tag) =	ssettag $0x0;
	lr =	simm.s32 $0x1  }
0x2: {  	[smem:$0x3F9D] =	sst lr;
	_ =	strace $0xD0000000  }
0x3: {  	_ = 	snop  }
0x4: {  	_ = 	snop  }
0x5: {  	_ = 	snop  }
0x6: {  	_ = 	snop  }
0x7: {  	_ = 	snop  }
__scs_overlays_trampoline_lowered:
0x8: {  	[smem:$0x3FAC] =	sst s0  }
0x9: {  	[smem:$0x3FAD] =	sst s1  }
0xa: {  	[smem:$0x3FAE] =	sst s2  }
0xb: {  	[smem:$0x3FAF] =	sst s3  }
0xc: {  	[smem:$0x3FB0] =	sst s4  }
0xd: {  	[smem:$0x3FB1] =	sst s5  }
0xe: {  	[smem:$0x3FB2] =	sst s6  }
0xf: {  	[smem:$0x3FB3] =	sst s7  }
0x10: {  	[smem:$0x3FB4] =	sst s8  }
0x11: {  	[smem:$0x3FB5] =	sst s9;
	s0 =	simm.s32 @!p0 $0x0  }
0x12: {  	s1 =	sld [smem:$0x3F9B];
	s0 =	simm.s32 @p0 $0x1  }
0x13: {  	[smem:$0x3FB6] =	sst s0;
	s0 =	simm.s32 @!p1 $0x0  }
0x14: {  	s2 =	sld [smem:$0x3F9A];
	s0 =	simm.s32 @p1 $0x1  }
0x15: {  	[smem:$0x3FB7] =	sst s0;
	s0 =	simm.s32 @!p2 $0x0  }
0x16: {  	s3 =	sld [smem:$0x3FDB];
	s0 =	simm.s32 @p2 $0x1  }
0x17: {  	s4 =	simm.s32 $0x1BF5;
	[smem:$0x3FB9] =	sst s0  }
0x18: {  	s0 =	sld [smem:$0x3F9C];
	_ =	swait.ge [sflag:s4], $0x0  }
0x19: {  	s7 =	sld [smem:$0x3F9D]  }
0x1a: {  	s8 =	sadd.s32 $0xFFFFE003, lr  }
0x1b: {  	s9 =	sadd.s32 $0xFFFFFEF7, lr;
	s5 =	simm.s32 $0xFFFFFFFF;
	p2 =	slt.u32 s8, $0xFFFFF086  }
0x1c: {  	p1 =	slt.u32 s9, $0xF7A;
	s5 =	simm.s32 @!p2 $0x0  }
0x1d: {  	s5 =	simm.s32 @p1 $0x1;
	p0 =	seq.s32 s7, s2  }
0x1e: {  	s7 =	smul.u32 @!p0 $0xF7A, s2;
	p2 =	seq.s32 @!p0 s5, $0x0  }
0x1f: {  	s9 =	smul.u32 $0xF7A, s1;
	s8 =	simm.s32 @!p0 $0x1BF5;
	p2 =	por !p2, p0  }
0x20: {  	[sflag:s8] =	ssyncset.s32 @!p0 $0xFFFFF086;
	s6 =	sadd.s32 @!p0 s3, s7;
	s7 =	simm.s32 @!p0 $0x108  }
0x21: {  	s3 =	sadd.s32 s3, s9;
	s6 =	sadd.s32 @!p0 $0x88, s6;
	s7 =	simm.s32 @p2 $0x1082  }
0x22: {  	[simem:s7], [sflag:s8] =	dma.local @!p0 [hbm:s6], $0xF7A  }
0x23: {  	s9 =	sor.u32 $0xD0000000, s2;
	s6 =	simm.s32 $0x108;
	_ =	swait.ge @!p0 [sflag:s8], $0x0  }
0x24: {  	s3 =	sadd.s32 $0x88, s3;
	s6 =	simm.s32 @!p1 $0x1082;
	[sflag:s4] =	ssyncset.s32 $0xFFFFF086  }
0x25: {  	[simem:s6], [sflag:s4] =	dma.local [hbm:s3], $0xF7A  }
0x26: {  	[smem:$0x3F9D] =	sst s1;
	(tag) =	ssettag s2;
	_ =	strace s9  }
0x27: {  	s1 =	sld [smem:$0x3FAD]  }
0x28: {  	s2 =	sld [smem:$0x3FAE]  }
0x29: {  	s4 =	sld [smem:$0x3FB0]  }
0x2a: {  	p0 =	seq.s32 s5, $0x0;
	s5 =	sld [smem:$0x3FB1]  }
0x2b: {  	s6 =	sld [smem:$0x3FB2]  }
0x2c: {  	s7 =	sld [smem:$0x3FB3]  }
0x2d: {  	s3 =	simm.s32 $0x108;
	s8 =	sld [smem:$0x3FB4]  }
0x2e: {  	s3 =	simm.s32 @!p0 $0x1082;
	s9 =	sld [smem:$0x3FB5]  }
0x2f: {  	lr =	sadd.s32 s0, s3;
	s0 =	sld [smem:$0x3FAC]  }
0x30: {  	s3 =	sld [smem:$0x3FAF]  }
0x31: {  	[smem:$0x3FB8] =	sst s10  }
0x32: {  	s10 =	sld [smem:$0x3FB6];
	_ =	sdelay $0x3  }
0x33: {  	p0 =	seq.s32 s10, $0x1;
	s10 =	sld [smem:$0x3FB8];
	_ =	sdelay $0x3  }
0x34: {  	[smem:$0x3FB8] =	sst s10  }
0x35: {  	s10 =	sld [smem:$0x3FB7];
	_ =	sdelay $0x3  }
0x36: {  	p1 =	seq.s32 s10, $0x1;
	s10 =	sld [smem:$0x3FB8];
	_ =	sdelay $0x3  }
0x37: {  	[smem:$0x3FB8] =	sst s10  }
0x38: {  	s10 =	sld [smem:$0x3FB9]  }
0x39: {  	_ = 	snop;
	(pc) =	sbr.ind lr, $3  }
0x3a: {  	_ = 	snop  }
0x3b: {  	_ = 	snop  }
0x3c: {  	p2 =	seq.s32 s10, $0x1;
	s10 =	sld [smem:$0x3FB8]  }
0x3d: {  	_ =	shalt  }
0x3e: {  	_ =	shalt  }
0x3f: {  	_ =	shalt  }
0x40: {  	_ =	shalt  }
0x41: {  	_ =	shalt  }
0x42: {  	_ =	shalt  }
0x43: {  	_ =	shalt  }
0x44: {  	_ =	shalt  }
0x45: {  	_ =	shalt  }
0x46: {  	_ =	shalt  }
0x47: {  	_ =	shalt  }
0x48: {  	_ =	shalt  }
0x49: {  	_ =	shalt  }
0x4a: {  	_ =	shalt  }
0x4b: {  	_ =	shalt  }
0x4c: {  	_ =	shalt  }
0x4d: {  	_ =	shalt  }
0x4e: {  	_ =	shalt  }
0x4f: {  	_ =	shalt  }
0x50: {  	_ =	shalt  }
0x51: {  	_ =	shalt  }
0x52: {  	_ =	shalt  }
0x53: {  	_ =	shalt  }
0x54: {  	_ =	shalt  }
0x55: {  	_ =	shalt  }
0x56: {  	_ =	shalt  }
0x57: {  	_ =	shalt  }
0x58: {  	_ =	shalt  }
0x59: {  	_ =	shalt  }
0x5a: {  	_ =	shalt  }
0x5b: {  	_ =	shalt  }
0x5c: {  	_ =	shalt  }
0x5d: {  	_ =	shalt  }
0x5e: {  	_ =	shalt  }
0x5f: {  	_ =	shalt  }
0x60: {  	_ =	shalt  }
0x61: {  	_ =	shalt  }
0x62: {  	_ =	shalt  }
0x63: {  	_ =	shalt  }
0x64: {  	_ =	shalt  }
0x65: {  	_ =	shalt  }
0x66: {  	_ =	shalt  }
0x67: {  	_ =	shalt  }
0x68: {  	_ =	shalt  }
0x69: {  	_ =	shalt  }
0x6a: {  	_ =	shalt  }
0x6b: {  	_ =	shalt  }
0x6c: {  	_ =	shalt  }
0x6d: {  	_ =	shalt  }
0x6e: {  	_ =	shalt  }
0x6f: {  	_ =	shalt  }
0x70: {  	_ =	shalt  }
0x71: {  	_ =	shalt  }
0x72: {  	_ =	shalt  }
0x73: {  	_ =	shalt  }
0x74: {  	_ =	shalt  }
0x75: {  	_ =	shalt  }
0x76: {  	_ =	shalt  }
0x77: {  	_ =	shalt  }
0x78: {  	_ =	shalt  }
0x79: {  	_ =	shalt  }
0x7a: {  	_ =	shalt  }
0x7b: {  	_ =	shalt  }
0x7c: {  	_ =	shalt  }
0x7d: {  	_ =	shalt  }
0x7e: {  	_ =	shalt  }
0x7f: {  	_ =	shalt  }
0x80: {  	_ =	shalt  }
0x81: {  	_ =	shalt  }
0x82: {  	_ =	shalt  }
0x83: {  	_ =	shalt  }
0x84: {  	_ =	shalt  }
0x85: {  	_ =	shalt  }
0x86: {  	_ =	shalt  }
0x87: {  	_ =	shalt  }
.Lfunc_end0:
.L_simem_size_0:
called_computation_lowered:
.L_overlay_start_0:
0x88: {  	s2 =	sld [smem:$0x3FD9]  }
0x89: {  	s3 =	sld [smem:$0x3FFE];
	_ =	sdelay $0x1  }
0x8a: {  	s1 =	srdreg.scid  }
0x8b: {  	s0 =	sand.u32 $0x1, s1  }
0x8c: {  	s17 =	sshll.u32 s0, $0xA;
	s2 =	sadd.s32 s3, s2  }
0x8d: {  	s2 =	sadd.s32 s2, s17  }
0x8e: {  	[smem:$0x3FC4] =	sst s2  }
0x8f: {  	_ = 	snop  }
0x90: {  	s2 =	sld [smem:$0x3FC9]  }
0x91: {  	s18 =	sld [smem:$0x3FD0];
	(tm) =	ssettm $0x1  }
0x92: {  	s4 =	sld [smem:$0x3FFB];
	_ =	sdelay $0x3  }
0x93: {  	_ =	strace s4  }
0x94: {  	s4 =	sld [smem:$0x3FFC];
	_ =	sdelay $0x3  }
0x95: {  	_ =	strace s4  }
0x96: {  	s4 =	sld [smem:$0x3FFD];
	_ =	sdelay $0x3  }
0x97: {  	_ =	strace s4  }
0x98: {  	_ =	strace $0x8FFFFFFF  }
0x99: {  	s19 =	sld [smem:$0x3FDB];
	_ =	sdelay $0x1  }
0x9a: {  	s5 =	simm.s32 $_scs_section_size  }
0x9b: {  	s6 =	simm.s32 $_size__tile_overlayer_lowered;
	s7 =	simm.s32 $_tile_overlayer_lowered  }
0x9c: {  	s22 =	simm.s32 $0x1BFF;
	s21 =	sshll.u32 s7, $0x1;
	s4 =	sadd.s32 s5, s19  }
0x9d: {  	s8 =	simm.s32 $0x0;
	s20 =	sshll.u32 s6, $0x1;
	s6 =	sadd.s32 s21, s4  }
0x9e: {  	[timem:s8], [sflag:s22] =	dma.local [hbm:s6], s20  }
0x9f: {  	_ =	swait.ge [sflag:s22], s20  }
0xa0: {  	s5 =	ssub.s32 $0x0, s20;
	[sflag:s22] =	ssyncset.done $0x0  }
0xa1: {  	[sflag:s22] =	ssyncadd.s32 s5;
	_ =	sdelay $0x1  }
0xa2: {  	s23 =	simm.s32 $0x1B8B  }
0xa3: {  	_ =	swait.ge [sflag:s23], $0x1  }
0xa4: {  	[sflag:s23] =	ssyncset.done $0x0  }
0xa5: {  	s25 =	simm.s32 $0x1B8E;
	s24 =	sld [smem:$0x3FFE];
	[sflag:s23] =	ssyncadd.s32 $0xFFFFFFFF  }
0xa6: {  	s26 =	simm.s32 $execute0_lowered;
	[smem:$0x3FD2] =	sst s25  }
0xa7: {  	s6 =	sshll.u32 s26, $0x1;
	_ =	strace $0x80000046;
	[dreg:$0x1] =	wrdreg $0xFFFFFFFF  }
0xa8: {  	s28 =	simm.s32 $_size_execute0_lowered;
	s4 =	sadd.s32 s4, s6;
	[dreg:$0x0] =	wrdreg $0x0  }
0xa9: {  	s6 =	sshll.u32 s28, $0x1;
	[dreg:$0x2] =	wrdreg s4  }
0xaa: {  	[dreg:$0x3] =	wrdreg s6  }
0xab: {  	[dreg:$0x4] =	wrdreg $0xC0  }
0xac: {  	_ =	task [dreg:s8], $0x5FFFF  }
0xad: {  	[dreg:$0x1] =	wrdreg $0xFFFFFFFF  }
0xae: {  	[dreg:$0x0] =	wrdreg $0x60  }
0xaf: {  	[dreg:$0x2] =	wrdreg s2  }
0xb0: {  	[dreg:$0x3] =	wrdreg s24  }
0xb1: {  	[dreg:$0x4] =	wrdreg s18  }
0xb2: {  	[dreg:$0x5] =	wrdreg $0x9  }
0xb3: {  	_ =	task.clear_ibuf [dreg:s8], $0x6FFFF;
	_ =	strace $0x90000046  }
0xb4: {  	s29 =	simm.s32 $0x9;
	_ =	strace $0x80000048  }
0xb5: {  	_ =	swait.ge [sflag:s29], $0x1  }
0xb6: {  	[sflag:s29] =	ssyncadd.s32 $0xFFFFFFFF  }
0xb7: {  	_ =	strace $0x90000048  }
0xb8: {  	_ =	sfence  }
0xb9: {  	s30 =	sld [smem:$0x0];
	_ =	sdelay $0x2  }
0xba: {  	s31 =	sshll.u32 s1, $0xD;
	s1 =	sshrl.u32 s1, $0x2  }
0xbb: {  	s3 =	sand.u32 $0x4000, s31;
	s1 =	sadd.s32 s1, s30  }
0xbc: {  	s0 =	sor.u32 s3, s0;
	s1 =	sshll.u32 s1, $0x11  }
0xbd: {  	s0 =	sor.u32 s1, s0  }
0xbe: {  	s0 =	sadd.s32 $0x8F2B, s0  }
0xbf: {  	[sflag:s0] =	ssyncadd.remote.s32 $0x1  }
0xc0: {  	_ =	sfence.sel $0xFFFF  }
0xc1: {  	[dreg:$0x0] =	wrdreg $0xFFFFFFFF;
	(pc) =	sbr.abs _section_cstart, $3  }
0xc2: {  	[dreg:$0x1] =	wrdreg $0xFFFFFFFF  }
0xc3: {  	_ =	task.clear_ibuf [dreg:s8], $0x2FFFF;
	_ =	strace $0x9FFFFFFF  }
0xc4: {  	(tm) =	ssettm $0x7FFFFFFF  }
0xc5: {  	_ =	shalt  }
tec
execute0_lowered:
.L_overlay_start_1:
0x0: {  	(tag) =	ssettag $0x1  }
0x1: {  	s1 =	rddreg [dreg:$0x0]  }
0x2: {  	s0 =	rddreg [dreg:$0x1]  }
0x3: {  	s2 =	rddreg [dreg:$0x2];
	s3 =	simm.s32 $0x0  }
0x4: {  	[smem:$0x7FF] =	sst s3;
	s4 =	sadd.s32 $0xE00, s0  }
0x5: {  	s7 =	sadd.s32 $0xC00, s0;
	_ =	strace $0x80000047;
	[dreg:$0x4] =	wrdreg s4  }
0x6: {  	s6 =	stileid.u32;
	s8 =	sadd.s32 $0xA00, s0;
	[dreg:$0x5] =	wrdreg s7  }
0x7: {  	s16 =	srdreg.scid;
	s9 =	sadd.s32 $0x1400, s0;
	[dreg:$0x6] =	wrdreg s8  }
0x8: {  	s31 =	simm.s32 $0x100;
	s10 =	sadd.s32 $0x1200, s0;
	[dreg:$0x7] =	wrdreg s9  }
0x9: {  	s28 =	simm.s32 $0xF600;
	s11 =	sadd.s32 $0x1000, s0;
	[dreg:$0x8] =	wrdreg s10  }
0xa: {  	s29 =	simm.s32 $0x10600;
	s12 =	sadd.s32 $0x2000, s0;
	[dreg:$0x9] =	wrdreg s11  }
0xb: {  	s30 =	simm.s32 $0x11600;
	s13 =	sadd.s32 $0x1E00, s0;
	[dreg:$0xa] =	wrdreg s12  }
0xc: {  	s14 =	sadd.s32 $0x1C00, s0;
	s15 =	sadd.s32 $0x1A00, s0;
	[dreg:$0xb] =	wrdreg s13  }
0xd: {  	s5 =	sshll.u32 s6, $0x1;
	s6 =	sshrl.u32 s6, $0x1;
	[dreg:$0xc] =	wrdreg s14  }
0xe: {  	[dreg:$0xd] =	wrdreg s15;
	s4 =	sand.u32 $0x1, s16;
	s5 =	sand.u32 $0x2, s5  }
0xf: {  	s7 =	smul.u32 $0x64000, s6;
	s8 =	sadd.s32 $0x1800, s0;
	s0 =	sadd.s32 $0x1600, s0  }
0x10: {  	s19 =	sshll.u32 s6, $0x7;
	s10 =	simm.s32 $0x200;
	s9 =	simm.s32 $0x580  }
0x11: {  	s11 =	simm.s32 $0x4;
	s12 =	simm.s32 $0x1;
	[dreg:$0xe] =	wrdreg s8  }
0x12: {  	s16 =	simm.s32 $0x2;
	s14 =	simm.s32 $0x0;
	[dreg:$0xf] =	wrdreg s0  }
0x13: {  	s17 =	sor.u32 s4, s5;
	s4 =	ssub.s32 $0x2, s4;
	s8 =	simm.s32 $0x500  }
0x14: {  	s17 =	sshll.u32 s17, $0xF;
	s18 =	sand.u32 $0x3E0000, s7;
	s21 =	sshrl.u32 s4, $0x1  }
0x15: {  	s7 =	simm.s32 $0x480;
	s20 =	sor.u32 s19, s17;
	s5 =	sor.u32 s19, s18  }
0x16: {  	s4 =	ssub.s32 s4, s21;
	s0 =	sor.u32 s18, s20;
	s5 =	sor.u32 s17, s5  }
0x17: {  	s24 =	smax.u32 s4, $0x1;
	s0 =	sshrl.u32 s0, $0x3;
	s5 =	sadd.s32 $0x60000, s5  }
0x18: {  	[dreg:$0x12] =	wrdreg s24;
	s22 =	sadd.s32 s1, s0;
	s23 =	sshrl.u32 s5, $0x3  }
0x19: {  	s18 =	smul.u32 $0x19, s6;
	s0 =	sadd.s32 s2, s23;
	[dreg:$0x10] =	wrdreg s22  }
0x1a: {  	s4 =	simm.s32 $0x280;
	s25 =	sadd.s32 $0x64000, s22;
	[dreg:$0x11] =	wrdreg s0  }
0x1b: {  	s6 =	simm.s32 $0x380;
	s26 =	sadd.s32 $0xC8000, s22;
	[dreg:$0x13] =	wrdreg s25  }
0x1c: {  	s20 =	sadd.s32 $0x2, s18;
	s5 =	simm.s32 $0x300;
	[dreg:$0x14] =	wrdreg s26  }
0x1d: {  	s25 =	simm.s32 $0x80;
	s26 =	simm.s32 $0x400;
	s0 =	simm.s32 $0x180  }
.LBB2_1:
0x1e: {  	[dreg:$0x15] =	wrdreg s14  }
0x1f: {  	s13 =	rddreg [dreg:$0x10];
	s22 =	simm.s32 $0x600  }
0x20: {  	[tilespmem:s22], [sflag:$0x1] =	stream.strided.gather [hbm4b:s13+s25], $0x1000, s26, s25, $0x38;
	[tilespmem:$0x1E600] =	vst v63  }
0x21: {  	s23 =	rddreg [dreg:$0x13];
	s24 =	simm.s32 $0x1600  }
0x22: {  	[tilespmem:s24], [sflag:$0x1] =	stream.strided.gather [hbm4b:s23+s25], $0x1000, s26, s25, $0x38;
	[tilespmem:$0x1E600] =	vst v63  }
0x23: {  	s14 =	rddreg [dreg:$0x14];
	s15 =	simm.s32 $0x2600  }
0x24: {  	[tilespmem:s15], [sflag:$0x1] =	stream.strided.gather [hbm4b:s14+s25], $0x1000, s26, s25, $0x38;
	[tilespmem:$0x1E600] =	vst v63  }
0x25: {  	s19 =	rddreg [dreg:$0x4]  }
0x26: {  	[tilespmem:s3], [sflag:$0x4] =	stream.linear.gather [hbm4b:s19+s3], $0x80, $0x38;
	[tilespmem:$0x1E600] =	vst v63  }
0x27: {  	s21 =	rddreg [dreg:$0x5]  }
0x28: {  	[tilespmem:s25], [sflag:$0x4] =	stream.linear.gather [hbm4b:s21+s3], $0x80, $0x38;
	[tilespmem:$0x1E600] =	vst v63  }
0x29: {  	s22 =	rddreg [dreg:$0x6]  }
0x2a: {  	[tilespmem:s31], [sflag:$0x4] =	stream.linear.gather [hbm4b:s22+s3], $0x80, $0x38;
	[tilespmem:$0x1E600] =	vst v63  }
0x2b: {  	s23 =	rddreg [dreg:$0x7]  }
0x2c: {  	[tilespmem:s0], [sflag:$0x4] =	stream.linear.gather [hbm4b:s23+s3], $0x80, $0x38;
	[tilespmem:$0x1E600] =	vst v63  }
0x2d: {  	s24 =	rddreg [dreg:$0x8]  }
0x2e: {  	[tilespmem:s10], [sflag:$0x4] =	stream.linear.gather [hbm4b:s24+s3], $0x80, $0x38;
	[tilespmem:$0x1E600] =	vst v63  }
0x2f: {  	s14 =	rddreg [dreg:$0x9]  }
0x30: {  	[tilespmem:s4], [sflag:$0x4] =	stream.linear.gather [hbm4b:s14+s3], $0x80, $0x38;
	[tilespmem:$0x1E600] =	vst v63  }
0x31: {  	s15 =	rddreg [dreg:$0xa]  }
0x32: {  	[tilespmem:s5], [sflag:$0x4] =	stream.linear.gather [hbm4b:s15+s3], $0x80, $0x38;
	[tilespmem:$0x1E600] =	vst v63  }
0x33: {  	s19 =	rddreg [dreg:$0xb]  }
0x34: {  	[tilespmem:s6], [sflag:$0x4] =	stream.linear.gather [hbm4b:s19+s3], $0x80, $0x38;
	[tilespmem:$0x1E600] =	vst v63  }
0x35: {  	s21 =	rddreg [dreg:$0xc]  }
0x36: {  	[tilespmem:s26], [sflag:$0x4] =	stream.linear.gather [hbm4b:s21+s3], $0x80, $0x38;
	[tilespmem:$0x1E600] =	vst v63  }
0x37: {  	s22 =	rddreg [dreg:$0xd]  }
0x38: {  	[tilespmem:s7], [sflag:$0x4] =	stream.linear.gather [hbm4b:s22+s3], $0x80, $0x38;
	[tilespmem:$0x1E600] =	vst v63  }
0x39: {  	s23 =	rddreg [dreg:$0xe]  }
0x3a: {  	[tilespmem:s8], [sflag:$0x4] =	stream.linear.gather [hbm4b:s23+s3], $0x80, $0x38;
	[tilespmem:$0x1E600] =	vst v63  }
0x3b: {  	s24 =	rddreg [dreg:$0xf]  }
0x3c: {  	[tilespmem:s9], [sflag:$0x4] =	stream.linear.gather [hbm4b:s24+s3], $0x80, $0x38;
	[tilespmem:$0x1E600] =	vst v63  }
0x3d: {  	_ =	swait.ge [sflag:s11], $0x80  }
0x3e: {  	[sflag:s11] =	ssyncset.done $0x0  }
0x3f: {  	[sflag:s11] =	ssyncadd.s32 $0xFFFFFF80  }
0x40: {  	_ =	swait.ge [sflag:s11], $0x80  }
0x41: {  	[sflag:s11] =	ssyncset.done $0x0  }
0x42: {  	[sflag:s11] =	ssyncadd.s32 $0xFFFFFF80  }
0x43: {  	_ =	swait.ge [sflag:s11], $0x80  }
0x44: {  	[sflag:s11] =	ssyncset.done $0x0  }
0x45: {  	[sflag:s11] =	ssyncadd.s32 $0xFFFFFF80  }
0x46: {  	_ =	swait.ge [sflag:s11], $0x80  }
0x47: {  	[sflag:s11] =	ssyncset.done $0x0  }
0x48: {  	[sflag:s11] =	ssyncadd.s32 $0xFFFFFF80  }
0x49: {  	_ =	swait.ge [sflag:s11], $0x80  }
0x4a: {  	[sflag:s11] =	ssyncset.done $0x0  }
0x4b: {  	[sflag:s11] =	ssyncadd.s32 $0xFFFFFF80  }
0x4c: {  	_ =	swait.ge [sflag:s11], $0x80  }
0x4d: {  	[sflag:s11] =	ssyncset.done $0x0  }
0x4e: {  	[sflag:s11] =	ssyncadd.s32 $0xFFFFFF80  }
0x4f: {  	_ =	swait.ge [sflag:s11], $0x80  }
0x50: {  	[sflag:s11] =	ssyncset.done $0x0  }
0x51: {  	[sflag:s11] =	ssyncadd.s32 $0xFFFFFF80  }
0x52: {  	_ =	swait.ge [sflag:s11], $0x80  }
0x53: {  	[sflag:s11] =	ssyncset.done $0x0  }
0x54: {  	[sflag:s11] =	ssyncadd.s32 $0xFFFFFF80  }
0x55: {  	_ =	swait.ge [sflag:s11], $0x80  }
0x56: {  	[sflag:s11] =	ssyncset.done $0x0  }
0x57: {  	[sflag:s11] =	ssyncadd.s32 $0xFFFFFF80  }
0x58: {  	_ =	swait.ge [sflag:s11], $0x80  }
0x59: {  	[sflag:s11] =	ssyncset.done $0x0  }
0x5a: {  	[sflag:s11] =	ssyncadd.s32 $0xFFFFFF80  }
0x5b: {  	_ =	swait.ge [sflag:s11], $0x80  }
0x5c: {  	[sflag:s11] =	ssyncset.done $0x0  }
0x5d: {  	[sflag:s11] =	ssyncadd.s32 $0xFFFFFF80  }
0x5e: {  	_ =	swait.ge [sflag:s11], $0x80  }
0x5f: {  	[sflag:s11] =	ssyncset.done $0x0  }
0x60: {  	s22 =	simm.s32 $0x0;
	[sflag:s11] =	ssyncadd.s32 $0xFFFFFF80  }
.LBB2_2:
0x61: {  	s24 =	sshll.u32 s22, $0x1  }
0x62: {  	s13 =	sadd.s32 s18, s24  }
0x63: {  	s14 =	sadd.s32 $0x1, s13  }
0x64: {  	s19 =	sshll.u32 s14, $0xE;
	s14 =	sshll.u32 s14, $0x7  }
0x65: {  	s19 =	sand.u32 $0x7E0000, s19;
	s14 =	sand.u32 $0x380, s14  }
0x66: {  	s14 =	sor.u32 s19, s14  }
0x67: {  	_ =	swait.ge [sflag:s12], $0x3000;
	s14 =	sor.u32 s17, s14  }
0x68: {  	[sflag:s12] =	ssyncset.done $0x0;
	s23 =	sshrl.u32 s14, $0x3  }
0x69: {  	s15 =	simm.s32 $0x3600;
	[sflag:s12] =	ssyncadd.s32 $0xFFFFD000;
	s14 =	sadd.s32 s1, s23  }
0x6a: {  	[tilespmem:s15], [sflag:$0x2] =	stream.strided.gather [hbm4b:s14+s25], $0x1000, s26, s25, $0x38;
	[tilespmem:$0x1E600] =	vst v63  }
0x6b: {  	s21 =	simm.s32 $0x4600;
	s15 =	sadd.s32 $0x64000, s14  }
0x6c: {  	[tilespmem:s21], [sflag:$0x2] =	stream.strided.gather [hbm4b:s15+s25], $0x1000, s26, s25, $0x38;
	[tilespmem:$0x1E600] =	vst v63  }
0x6d: {  	p0 =	seq.s32 s22, $0x0;
	s19 =	simm.s32 $0x5600;
	s14 =	sadd.s32 $0xC8000, s14  }
0x6e: {  	[tilespmem:s19], [sflag:$0x2] =	stream.strided.gather [hbm4b:s14+s25], $0x1000, s26, s25, $0x38;
	[tilespmem:$0x1E600] =	vst v63  }
0x6f: {  	s14 =	simm.s32 @!p0 $0x3  }
0x70: {  	_ =	swait.ge @!p0 [sflag:s14], $0xC000  }
0x71: {  	[sflag:s14] =	ssyncset.done @!p0 $0x0  }
0x72: {  	s19 =	simm.s32 $0x0;
	[sflag:s14] =	ssyncadd.s32 @!p0 $0xFFFF4000  }
0x73: {  	v0 =	vld [tilespmem:s19+$0x670]  }
0x74: {  	v1 =	vld [tilespmem:s19+$0x600]  }
0x75: {  	v2 =	vld [tilespmem:s19+$0x610]  }
0x76: {  	v3 =	vld [tilespmem:s19+$0x620]  }
0x77: {  	v4 =	vld [tilespmem:s19+$0x630]  }
0x78: {  	v5 =	vld [tilespmem:s19+$0x640]  }
0x79: {  	v6 =	vld [tilespmem:s19+$0x650]  }
0x7a: {  	v7 =	vld [tilespmem:s19+$0x660]  }
0x7b: {  	v37 =	vld [tilespmem:s19+$0x1670]  }
0x7c: {  	v8 =	vld.idx.msk [tilespmem:v0+s3+$0x0], $0xffff  }
0x7d: {  	v9 =	vld.idx.msk [tilespmem:v1+s3+$0x0], $0xffff  }
0x7e: {  	v10 =	vld.idx.msk [tilespmem:v2+s3+$0x0], $0xffff  }
0x7f: {  	v11 =	vld.idx.msk [tilespmem:v3+s3+$0x0], $0xffff  }
0x80: {  	v12 =	vld.idx.msk [tilespmem:v4+s3+$0x0], $0xffff  }
0x81: {  	v13 =	vld.idx.msk [tilespmem:v5+s3+$0x0], $0xffff  }
0x82: {  	v14 =	vld.idx.msk [tilespmem:v6+s3+$0x0], $0xffff  }
0x83: {  	v34 =	vld.idx.msk [tilespmem:v7+s3+$0x0], $0xffff;
	[tilespmem:s19+$0x6670] =	vst v8  }
0x84: {  	[tilespmem:s19+$0x6600] =	vst v9;
	v8 =	vld.idx.msk [tilespmem:v0+s25+$0x0], $0xffff  }
0x85: {  	[tilespmem:s19+$0x6610] =	vst v10;
	v35 =	vld.idx.msk [tilespmem:v1+s25+$0x0], $0xffff  }
0x86: {  	[tilespmem:s19+$0x6620] =	vst v11;
	v36 =	vld.idx.msk [tilespmem:v2+s25+$0x0], $0xffff  }
0x87: {  	[tilespmem:s19+$0x6640] =	vst v13;
	v15 =	vld.idx.msk [tilespmem:v3+s25+$0x0], $0xffff  }
0x88: {  	[tilespmem:s19+$0x6650] =	vst v14;
	v13 =	vld.idx.msk [tilespmem:v5+s25+$0x0], $0xffff  }
0x89: {  	[tilespmem:s19+$0x6660] =	vst v34;
	v38 =	vld.idx.msk [tilespmem:v6+s25+$0x0], $0xffff  }
0x8a: {  	[tilespmem:s19+$0x6630] =	vst v12;
	v39 =	vld.idx.msk [tilespmem:v7+s25+$0x0], $0xffff  }
0x8b: {  	[tilespmem:s19+$0x7670] =	vst v8;
	v8 =	vld.idx.msk [tilespmem:v4+s25+$0x0], $0xffff  }
0x8c: {  	[tilespmem:s19+$0x7600] =	vst v35;
	v0 =	vld.idx.msk [tilespmem:v0+s31+$0x0], $0xffff  }
0x8d: {  	[tilespmem:s19+$0x7610] =	vst v36;
	v1 =	vld.idx.msk [tilespmem:v1+s31+$0x0], $0xffff  }
0x8e: {  	[tilespmem:s19+$0x7620] =	vst v15;
	v2 =	vld.idx.msk [tilespmem:v2+s31+$0x0], $0xffff  }
0x8f: {  	[tilespmem:s19+$0x7640] =	vst v13;
	v3 =	vld.idx.msk [tilespmem:v3+s31+$0x0], $0xffff  }
0x90: {  	[tilespmem:s19+$0x7650] =	vst v38;
	v5 =	vld.idx.msk [tilespmem:v5+s31+$0x0], $0xffff  }
0x91: {  	v6 =	vld.idx.msk [tilespmem:v6+s31+$0x0], $0xffff  }
0x92: {  	[tilespmem:s19+$0x7630] =	vst v8;
	v8 =	vld [tilespmem:s19+$0x1660]  }
0x93: {  	[tilespmem:s19+$0x7660] =	vst v39;
	v4 =	vld.idx.msk [tilespmem:v4+s31+$0x0], $0xffff  }
0x94: {  	[tilespmem:s19+$0x8600] =	vst v1;
	v1 =	vld.idx.msk [tilespmem:v7+s31+$0x0], $0xffff  }
0x95: {  	[tilespmem:s19+$0x8610] =	vst v2;
	v2 =	vld [tilespmem:s19+$0x1600]  }
0x96: {  	[tilespmem:s19+$0x8670] =	vst v0;
	v7 =	vld [tilespmem:s19+$0x1610]  }
0x97: {  	[tilespmem:s19+$0x8620] =	vst v3;
	v0 =	vld.idx.msk [tilespmem:v37+s0+$0x0], $0xffff  }
0x98: {  	v3 =	vld [tilespmem:s19+$0x1620];
	[tilespmem:s19+$0x8640] =	vst v5  }
0x99: {  	[tilespmem:s19+$0x8650] =	vst v6;
	v5 =	vld [tilespmem:s19+$0x1640]  }
0x9a: {  	v6 =	vld [tilespmem:s19+$0x1650];
	[tilespmem:s19+$0x8630] =	vst v4  }
0x9b: {  	v4 =	vld [tilespmem:s19+$0x1630];
	[tilespmem:s19+$0x8660] =	vst v1  }
0x9c: {  	v1 =	vld [tilespmem:s19+$0x2670];
	[tilespmem:s19+$0x9670] =	vst v0  }
0x9d: {  	v0 =	vld.idx.msk [tilespmem:v37+s10+$0x0], $0xffff  }
0x9e: {  	v44 =	vld.idx.msk [tilespmem:v8+s0+$0x0], $0xffff  }
0x9f: {  	v40 =	vld.idx.msk [tilespmem:v2+s0+$0x0], $0xffff  }
0xa0: {  	v41 =	vld.idx.msk [tilespmem:v7+s0+$0x0], $0xffff  }
0xa1: {  	v42 =	vld.idx.msk [tilespmem:v3+s0+$0x0], $0xffff  }
0xa2: {  	v13 =	vld.idx.msk [tilespmem:v5+s0+$0x0], $0xffff  }
0xa3: {  	v14 =	vld.idx.msk [tilespmem:v6+s0+$0x0], $0xffff;
	[tilespmem:s19+$0xA670] =	vst v0  }
0xa4: {  	v0 =	vld.idx.msk [tilespmem:v37+s4+$0x0], $0xffff  }
0xa5: {  	[tilespmem:s19+$0x9660] =	vst v44;
	v43 =	vld.idx.msk [tilespmem:v4+s0+$0x0], $0xffff  }
0xa6: {  	[tilespmem:s19+$0x9600] =	vst v40;
	v51 =	vld.idx.msk [tilespmem:v8+s10+$0x0], $0xffff  }
0xa7: {  	[tilespmem:s19+$0x9610] =	vst v41;
	v45 =	vld.idx.msk [tilespmem:v2+s10+$0x0], $0xffff  }
0xa8: {  	[tilespmem:s19+$0x9620] =	vst v42;
	v46 =	vld.idx.msk [tilespmem:v7+s10+$0x0], $0xffff  }
0xa9: {  	[tilespmem:s19+$0x9650] =	vst v14;
	v47 =	vld.idx.msk [tilespmem:v3+s10+$0x0], $0xffff  }
0xaa: {  	v50 =	vld.idx.msk [tilespmem:v6+s10+$0x0], $0xffff;
	[tilespmem:s19+$0xB670] =	vst v0  }
0xab: {  	[tilespmem:s19+$0x9630] =	vst v43;
	v0 =	vld.idx.msk [tilespmem:v1+s5+$0x0], $0xffff  }
0xac: {  	v48 =	vld.idx.msk [tilespmem:v4+s10+$0x0], $0xffff;
	[tilespmem:s19+$0xA600] =	vst v45  }
0xad: {  	[tilespmem:s19+$0xA610] =	vst v46;
	v2 =	vld.idx.msk [tilespmem:v2+s4+$0x0], $0xffff  }
0xae: {  	[tilespmem:s19+$0xA620] =	vst v47;
	v7 =	vld.idx.msk [tilespmem:v7+s4+$0x0], $0xffff  }
0xaf: {  	[tilespmem:s19+$0xA650] =	vst v50;
	v3 =	vld.idx.msk [tilespmem:v3+s4+$0x0], $0xffff  }
0xb0: {  	[tilespmem:s19+$0x9640] =	vst v13;
	v6 =	vld.idx.msk [tilespmem:v6+s4+$0x0], $0xffff  }
0xb1: {  	[tilespmem:s19+$0xC670] =	vst v0;
	v0 =	vld.idx.msk [tilespmem:v5+s10+$0x0], $0xffff  }
0xb2: {  	[tilespmem:s19+$0xA660] =	vst v51;
	v49 =	vld.idx.msk [tilespmem:v1+s6+$0x0], $0xffff  }
0xb3: {  	[tilespmem:s19+$0xB600] =	vst v2;
	v2 =	vld.idx.msk [tilespmem:v8+s4+$0x0], $0xffff  }
0xb4: {  	[tilespmem:s19+$0xB610] =	vst v7;
	v7 =	vld [tilespmem:s19+$0x2600]  }
0xb5: {  	[tilespmem:s19+$0xB620] =	vst v3;
	v3 =	vld [tilespmem:s19+$0x2610]  }
0xb6: {  	v8 =	vld [tilespmem:s19+$0x2620]  }
0xb7: {  	v52 =	vld [tilespmem:s19+$0x2650];
	[tilespmem:s19+$0xB650] =	vst v6  }
0xb8: {  	v6 =	vld [tilespmem:s19+$0x2640];
	[tilespmem:s19+$0xA640] =	vst v0  }
0xb9: {  	[tilespmem:s19+$0xD670] =	vst v49;
	v5 =	vld.idx.msk [tilespmem:v5+s4+$0x0], $0xffff  }
0xba: {  	[tilespmem:s19+$0xA630] =	vst v48;
	v0 =	vld.idx.msk [tilespmem:v1+s26+$0x0], $0xffff  }
0xbb: {  	v4 =	vld.idx.msk [tilespmem:v4+s4+$0x0], $0xffff  }
0xbc: {  	[tilespmem:s19+$0xB660] =	vst v2;
	v2 =	vld.idx.msk [tilespmem:v7+s5+$0x0], $0xffff  }
0xbd: {  	v53 =	vld.idx.msk [tilespmem:v3+s5+$0x0], $0xffff  }
0xbe: {  	v54 =	vld.idx.msk [tilespmem:v8+s5+$0x0], $0xffff;
	[tilespmem:s19+$0xB640] =	vst v5  }
0xbf: {  	v5 =	vld [tilespmem:s19+$0x2630];
	[tilespmem:s19+$0xE670] =	vst v0  }
0xc0: {  	[tilespmem:s19+$0xB630] =	vst v4;
	v4 =	vld.idx.msk [tilespmem:v1+s7+$0x0], $0xffff  }
0xc1: {  	v0 =	vld [tilespmem:s19+$0x2660]  }
0xc2: {  	v56 =	vld.idx.msk [tilespmem:v6+s5+$0x0], $0xffff  }
0xc3: {  	[tilespmem:s19+$0xC600] =	vst v2;
	v2 =	vld.idx.msk [tilespmem:v52+s5+$0x0], $0xffff  }
0xc4: {  	[tilespmem:s19+$0xC620] =	vst v54;
	v58 =	vld.idx.msk [tilespmem:v7+s6+$0x0], $0xffff  }
0xc5: {  	v11 =	vld.idx.msk [tilespmem:v8+s6+$0x0], $0xffff;
	[tilespmem:s19+$0xF670] =	vst v4  }
0xc6: {  	v4 =	vld.idx.msk [tilespmem:v1+s8+$0x0], $0xffff  }
0xc7: {  	[tilespmem:s19+$0xC640] =	vst v56;
	v55 =	vld.idx.msk [tilespmem:v5+s5+$0x0], $0xffff  }
0xc8: {  	[tilespmem:s19+$0xC650] =	vst v2;
	v2 =	vld.idx.msk [tilespmem:v6+s6+$0x0], $0xffff  }
0xc9: {  	[tilespmem:s19+$0xC610] =	vst v53;
	v57 =	vld.idx.msk [tilespmem:v0+s5+$0x0], $0xffff  }
0xca: {  	v59 =	vld.idx.msk [tilespmem:v52+s6+$0x0], $0xffff;
	[tilespmem:s19+$0xD620] =	vst v11  }
0xcb: {  	[tilespmem:s19+$0xD600] =	vst v58;
	v11 =	vld.idx.msk [tilespmem:v8+s26+$0x0], $0xffff  }
0xcc: {  	[tilespmem:s19+$0x10670] =	vst v4;
	v4 =	vld.idx.msk [tilespmem:v3+s6+$0x0], $0xffff  }
0xcd: {  	[tilespmem:s19+$0xC630] =	vst v55;
	v1 =	vld.idx.msk [tilespmem:v1+s9+$0x0], $0xffff  }
0xce: {  	[tilespmem:s19+$0xD640] =	vst v2;
	v12 =	vld.idx.msk [tilespmem:v5+s6+$0x0], $0xffff  }
0xcf: {  	[tilespmem:s19+$0xC660] =	vst v57;
	v2 =	vld.idx.msk [tilespmem:v6+s26+$0x0], $0xffff  }
0xd0: {  	[tilespmem:s19+$0xD650] =	vst v59;
	v60 =	vld.idx.msk [tilespmem:v0+s6+$0x0], $0xffff  }
0xd1: {  	v10 =	vld.idx.msk [tilespmem:v52+s26+$0x0], $0xffff;
	[tilespmem:s19+$0xD610] =	vst v4  }
0xd2: {  	[tilespmem:s19+$0x11670] =	vst v1;
	v1 =	vld.idx.msk [tilespmem:v7+s26+$0x0], $0xffff  }
0xd3: {  	[tilespmem:s19+$0xE620] =	vst v11;
	v4 =	vld.idx.msk [tilespmem:v3+s26+$0x0], $0xffff  }
0xd4: {  	v11 =	vld.idx.msk [tilespmem:v8+s7+$0x0], $0xffff;
	[tilespmem:s19+$0xD630] =	vst v12  }
0xd5: {  	[tilespmem:s19+$0xE640] =	vst v2;
	v12 =	vld.idx.msk [tilespmem:v5+s26+$0x0], $0xffff  }
0xd6: {  	[tilespmem:s19+$0xD660] =	vst v60;
	v2 =	vld.idx.msk [tilespmem:v6+s7+$0x0], $0xffff  }
0xd7: {  	[tilespmem:s19+$0xE600] =	vst v1;
	v1 =	vld.idx.msk [tilespmem:v0+s26+$0x0], $0xffff  }
0xd8: {  	[tilespmem:s19+$0xE610] =	vst v4;
	v61 =	vld.idx.msk [tilespmem:v7+s7+$0x0], $0xffff  }
0xd9: {  	[tilespmem:s19+$0xE650] =	vst v10;
	v4 =	vld.idx.msk [tilespmem:v3+s7+$0x0], $0xffff  }
0xda: {  	v10 =	vld.idx.msk [tilespmem:v52+s7+$0x0], $0xffff;
	[tilespmem:s19+$0xE630] =	vst v12  }
0xdb: {  	[tilespmem:s19+$0xF620] =	vst v11;
	v12 =	vld.idx.msk [tilespmem:v5+s7+$0x0], $0xffff  }
0xdc: {  	v11 =	vld.idx.msk [tilespmem:v8+s8+$0x0], $0xffff;
	[tilespmem:s19+$0xE660] =	vst v1  }
0xdd: {  	[tilespmem:s19+$0xF600] =	vst v61;
	v1 =	vld.idx.msk [tilespmem:v0+s7+$0x0], $0xffff  }
0xde: {  	[tilespmem:s19+$0xF610] =	vst v4;
	v13 =	vld.idx.msk [tilespmem:v7+s8+$0x0], $0xffff  }
0xdf: {  	[tilespmem:s19+$0xF640] =	vst v2;
	v4 =	vld.idx.msk [tilespmem:v3+s8+$0x0], $0xffff  }
0xe0: {  	v62 =	vld.idx.msk [tilespmem:v6+s8+$0x0], $0xffff;
	[tilespmem:s19+$0xF630] =	vst v12  }
0xe1: {  	[tilespmem:s19+$0xF650] =	vst v10;
	v12 =	vld.idx.msk [tilespmem:v5+s8+$0x0], $0xffff  }
0xe2: {  	v10 =	vld.idx.msk [tilespmem:v52+s8+$0x0], $0xffff;
	[tilespmem:s19+$0xF660] =	vst v1  }
0xe3: {  	[tilespmem:s19+$0x10600] =	vst v13;
	v63 =	vld.idx.msk [tilespmem:v0+s8+$0x0], $0xffff  }
0xe4: {  	[tilespmem:s19+$0x10610] =	vst v4;
	v2 =	vld.idx.msk [tilespmem:v7+s9+$0x0], $0xffff  }
0xe5: {  	[tilespmem:s19+$0x10620] =	vst v11;
	v1 =	vld.idx.msk [tilespmem:v3+s9+$0x0], $0xffff  }
0xe6: {  	s21 =	sshll.u32 s13, $0xE;
	s13 =	sshll.u32 s13, $0x7;
	v3 =	vld.idx.msk [tilespmem:v8+s9+$0x0], $0xffff;
	[tilespmem:s19+$0x10630] =	vst v12  }
0xe7: {  	s13 =	sand.u32 $0x380, s13;
	s14 =	sand.u32 $0x7E0000, s21;
	[tilespmem:s19+$0x10640] =	vst v62;
	v4 =	vld.idx.msk [tilespmem:v5+s9+$0x0], $0xffff  }
0xe8: {  	s13 =	sor.u32 s14, s13;
	[tilespmem:s19+$0x10650] =	vst v10;
	v5 =	vld.idx.msk [tilespmem:v6+s9+$0x0], $0xffff  }
0xe9: {  	s14 =	simm.s32 $0x200;
	s21 =	sor.u32 s17, s13;
	s13 =	simm.s32 $0x0;
	v6 =	vld.idx.msk [tilespmem:v52+s9+$0x0], $0xffff;
	[tilespmem:s19+$0x10660] =	vst v63  }
.LBB2_3:
0xea: {  	s15 =	sshra.s32 s14, $0x2;
	s13 =	sadd.s32 $0x8, s13;
	[tilespmem:s19+$0x11600] =	vst v2;
	v0 =	vld.idx.msk [tilespmem:v0+s9+$0x0], $0xffff  }
0xeb: {  	v2 =	vld [tilespmem:s15+$0x670];
	p1 =	slt.u32 s13, $0xF8;
	[tilespmem:s19+$0x11610] =	vst v1  }
0xec: {  	v1 =	vld [tilespmem:s15+$0x600];
	[tilespmem:s19+$0x11620] =	vst v3  }
0xed: {  	v3 =	vld [tilespmem:s15+$0x610];
	[tilespmem:s19+$0x11630] =	vst v4  }
0xee: {  	v4 =	vld [tilespmem:s15+$0x620];
	[tilespmem:s19+$0x11640] =	vst v5  }
0xef: {  	v5 =	vld [tilespmem:s15+$0x630];
	[tilespmem:s19+$0x11650] =	vst v6  }
0xf0: {  	v6 =	vld [tilespmem:s15+$0x640];
	[tilespmem:s19+$0x11660] =	vst v0;
	s19 =	smov.u32 s15  }
0xf1: {  	v0 =	vld [tilespmem:s19+$0x650]  }
0xf2: {  	v7 =	vld [tilespmem:s19+$0x660]  }
0xf3: {  	v8 =	vld.idx.msk [tilespmem:v2+s3+$0x0], $0xffff  }
0xf4: {  	v9 =	vld.idx.msk [tilespmem:v1+s3+$0x0], $0xffff  }
0xf5: {  	v10 =	vld.idx.msk [tilespmem:v3+s3+$0x0], $0xffff  }
0xf6: {  	v11 =	vld.idx.msk [tilespmem:v4+s3+$0x0], $0xffff  }
0xf7: {  	v12 =	vld.idx.msk [tilespmem:v5+s3+$0x0], $0xffff  }
0xf8: {  	v13 =	vld.idx.msk [tilespmem:v6+s3+$0x0], $0xffff  }
0xf9: {  	v14 =	vld.idx.msk [tilespmem:v0+s3+$0x0], $0xffff;
	[tilespmem:s19+$0x6670] =	vst v8  }
0xfa: {  	[tilespmem:s19+$0x6600] =	vst v9;
	v8 =	vld.idx.msk [tilespmem:v2+s25+$0x0], $0xffff  }
0xfb: {  	[tilespmem:s19+$0x6610] =	vst v10;
	v9 =	vld.idx.msk [tilespmem:v7+s3+$0x0], $0xffff  }
0xfc: {  	v10 =	vld.idx.msk [tilespmem:v1+s25+$0x0], $0xffff;
	[tilespmem:s19+$0x6620] =	vst v11  }
0xfd: {  	v11 =	vld.idx.msk [tilespmem:v3+s25+$0x0], $0xffff;
	[tilespmem:s19+$0x6630] =	vst v12  }
0xfe: {  	v12 =	vld.idx.msk [tilespmem:v4+s25+$0x0], $0xffff;
	[tilespmem:s19+$0x6640] =	vst v13  }
0xff: {  	v13 =	vld.idx.msk [tilespmem:v5+s25+$0x0], $0xffff;
	[tilespmem:s19+$0x6650] =	vst v14  }
0x100: {  	v14 =	vld [tilespmem:s19+$0x1670];
	[tilespmem:s19+$0x7670] =	vst v8  }
0x101: {  	[tilespmem:s19+$0x6660] =	vst v9;
	v2 =	vld.idx.msk [tilespmem:v2+s31+$0x0], $0xffff  }
0x102: {  	[tilespmem:s19+$0x7600] =	vst v10;
	v8 =	vld.idx.msk [tilespmem:v6+s25+$0x0], $0xffff  }
0x103: {  	[tilespmem:s19+$0x7610] =	vst v11;
	v9 =	vld.idx.msk [tilespmem:v0+s25+$0x0], $0xffff  }
0x104: {  	[tilespmem:s19+$0x7620] =	vst v12;
	v10 =	vld.idx.msk [tilespmem:v7+s25+$0x0], $0xffff  }
0x105: {  	v1 =	vld.idx.msk [tilespmem:v1+s31+$0x0], $0xffff;
	[tilespmem:s19+$0x7630] =	vst v13  }
0x106: {  	v3 =	vld.idx.msk [tilespmem:v3+s31+$0x0], $0xffff  }
0x107: {  	v4 =	vld.idx.msk [tilespmem:v4+s31+$0x0], $0xffff;
	[tilespmem:s19+$0x8670] =	vst v2  }
0x108: {  	[tilespmem:s19+$0x7640] =	vst v8;
	v2 =	vld.idx.msk [tilespmem:v14+s0+$0x0], $0xffff  }
0x109: {  	v5 =	vld.idx.msk [tilespmem:v5+s31+$0x0], $0xffff;
	[tilespmem:s19+$0x7650] =	vst v9  }
0x10a: {  	v6 =	vld.idx.msk [tilespmem:v6+s31+$0x0], $0xffff;
	[tilespmem:s19+$0x7660] =	vst v10  }
0x10b: {  	[tilespmem:s19+$0x8600] =	vst v1;
	v0 =	vld.idx.msk [tilespmem:v0+s31+$0x0], $0xffff  }
0x10c: {  	[tilespmem:s19+$0x8610] =	vst v3;
	v1 =	vld.idx.msk [tilespmem:v7+s31+$0x0], $0xffff  }
0x10d: {  	v3 =	vld [tilespmem:s19+$0x1600];
	[tilespmem:s19+$0x8620] =	vst v4  }
0x10e: {  	v4 =	vld [tilespmem:s19+$0x1610];
	[tilespmem:s19+$0x9670] =	vst v2  }
0x10f: {  	[tilespmem:s19+$0x8630] =	vst v5;
	v2 =	vld.idx.msk [tilespmem:v14+s10+$0x0], $0xffff  }
0x110: {  	v5 =	vld [tilespmem:s19+$0x1620];
	[tilespmem:s19+$0x8640] =	vst v6  }
0x111: {  	v6 =	vld [tilespmem:s19+$0x1630];
	[tilespmem:s19+$0x8650] =	vst v0  }
0x112: {  	v0 =	vld [tilespmem:s19+$0x1640];
	[tilespmem:s19+$0x8660] =	vst v1  }
0x113: {  	v1 =	vld [tilespmem:s19+$0x1650]  }
0x114: {  	v7 =	vld [tilespmem:s19+$0x1660]  }
0x115: {  	v8 =	vld [tilespmem:s19+$0x2670];
	[tilespmem:s19+$0xA670] =	vst v2  }
0x116: {  	v2 =	vld.idx.msk [tilespmem:v14+s4+$0x0], $0xffff  }
0x117: {  	v9 =	vld.idx.msk [tilespmem:v3+s0+$0x0], $0xffff  }
0x118: {  	v10 =	vld.idx.msk [tilespmem:v4+s0+$0x0], $0xffff  }
0x119: {  	v11 =	vld.idx.msk [tilespmem:v5+s0+$0x0], $0xffff  }
0x11a: {  	v12 =	vld.idx.msk [tilespmem:v6+s0+$0x0], $0xffff  }
0x11b: {  	v13 =	vld.idx.msk [tilespmem:v0+s0+$0x0], $0xffff  }
0x11c: {  	v14 =	vld.idx.msk [tilespmem:v1+s0+$0x0], $0xffff;
	[tilespmem:s19+$0xB670] =	vst v2  }
0x11d: {  	[tilespmem:s19+$0x9600] =	vst v9;
	v2 =	vld.idx.msk [tilespmem:v8+s5+$0x0], $0xffff  }
0x11e: {  	[tilespmem:s19+$0x9610] =	vst v10;
	v9 =	vld.idx.msk [tilespmem:v7+s0+$0x0], $0xffff  }
0x11f: {  	v10 =	vld.idx.msk [tilespmem:v3+s10+$0x0], $0xffff;
	[tilespmem:s19+$0x9620] =	vst v11  }
0x120: {  	v11 =	vld.idx.msk [tilespmem:v4+s10+$0x0], $0xffff;
	[tilespmem:s19+$0x9630] =	vst v12  }
0x121: {  	v12 =	vld.idx.msk [tilespmem:v5+s10+$0x0], $0xffff;
	[tilespmem:s19+$0x9640] =	vst v13  }
0x122: {  	v13 =	vld.idx.msk [tilespmem:v6+s10+$0x0], $0xffff;
	[tilespmem:s19+$0x9650] =	vst v14  }
0x123: {  	v14 =	vld.idx.msk [tilespmem:v0+s10+$0x0], $0xffff;
	[tilespmem:s19+$0xC670] =	vst v2  }
0x124: {  	[tilespmem:s19+$0x9660] =	vst v9;
	v2 =	vld.idx.msk [tilespmem:v8+s6+$0x0], $0xffff  }
0x125: {  	[tilespmem:s19+$0xA600] =	vst v10;
	v9 =	vld.idx.msk [tilespmem:v1+s10+$0x0], $0xffff  }
0x126: {  	[tilespmem:s19+$0xA610] =	vst v11;
	v10 =	vld.idx.msk [tilespmem:v7+s10+$0x0], $0xffff  }
0x127: {  	v3 =	vld.idx.msk [tilespmem:v3+s4+$0x0], $0xffff;
	[tilespmem:s19+$0xA620] =	vst v12  }
0x128: {  	v4 =	vld.idx.msk [tilespmem:v4+s4+$0x0], $0xffff;
	[tilespmem:s19+$0xA630] =	vst v13  }
0x129: {  	v5 =	vld.idx.msk [tilespmem:v5+s4+$0x0], $0xffff;
	[tilespmem:s19+$0xA640] =	vst v14  }
0x12a: {  	v6 =	vld.idx.msk [tilespmem:v6+s4+$0x0], $0xffff;
	[tilespmem:s19+$0xD670] =	vst v2  }
0x12b: {  	[tilespmem:s19+$0xA650] =	vst v9;
	v2 =	vld.idx.msk [tilespmem:v8+s26+$0x0], $0xffff  }
0x12c: {  	v0 =	vld.idx.msk [tilespmem:v0+s4+$0x0], $0xffff;
	[tilespmem:s19+$0xA660] =	vst v10  }
0x12d: {  	[tilespmem:s19+$0xB600] =	vst v3;
	v1 =	vld.idx.msk [tilespmem:v1+s4+$0x0], $0xffff  }
0x12e: {  	[tilespmem:s19+$0xB610] =	vst v4;
	v3 =	vld.idx.msk [tilespmem:v7+s4+$0x0], $0xffff  }
0x12f: {  	v4 =	vld [tilespmem:s19+$0x2600];
	[tilespmem:s19+$0xB620] =	vst v5  }
0x130: {  	v5 =	vld [tilespmem:s19+$0x2610];
	[tilespmem:s19+$0xB630] =	vst v6  }
0x131: {  	v6 =	vld [tilespmem:s19+$0x2620];
	[tilespmem:s19+$0xE670] =	vst v2  }
0x132: {  	[tilespmem:s19+$0xB640] =	vst v0;
	v2 =	vld.idx.msk [tilespmem:v8+s7+$0x0], $0xffff  }
0x133: {  	v7 =	vld [tilespmem:s19+$0x2630];
	[tilespmem:s19+$0xB650] =	vst v1  }
0x134: {  	v9 =	vld [tilespmem:s19+$0x2640];
	[tilespmem:s19+$0xB660] =	vst v3  }
0x135: {  	v10 =	vld [tilespmem:s19+$0x2650]  }
0x136: {  	v0 =	vld [tilespmem:s19+$0x2660]  }
0x137: {  	v1 =	vld.idx.msk [tilespmem:v4+s5+$0x0], $0xffff  }
0x138: {  	v3 =	vld.idx.msk [tilespmem:v5+s5+$0x0], $0xffff;
	[tilespmem:s19+$0xF670] =	vst v2  }
0x139: {  	v2 =	vld.idx.msk [tilespmem:v8+s8+$0x0], $0xffff  }
0x13a: {  	v11 =	vld.idx.msk [tilespmem:v6+s5+$0x0], $0xffff  }
0x13b: {  	v12 =	vld.idx.msk [tilespmem:v7+s5+$0x0], $0xffff  }
0x13c: {  	v13 =	vld.idx.msk [tilespmem:v9+s5+$0x0], $0xffff  }
0x13d: {  	[tilespmem:s19+$0xC600] =	vst v1;
	v1 =	vld.idx.msk [tilespmem:v10+s5+$0x0], $0xffff  }
0x13e: {  	[tilespmem:s19+$0xC610] =	vst v3;
	v3 =	vld.idx.msk [tilespmem:v0+s5+$0x0], $0xffff  }
0x13f: {  	v14 =	vld.idx.msk [tilespmem:v4+s6+$0x0], $0xffff;
	[tilespmem:s19+$0x10670] =	vst v2  }
0x140: {  	[tilespmem:s19+$0xC620] =	vst v11;
	v2 =	vld.idx.msk [tilespmem:v8+s9+$0x0], $0xffff  }
0x141: {  	v8 =	vld.idx.msk [tilespmem:v5+s6+$0x0], $0xffff;
	[tilespmem:s19+$0xC630] =	vst v12  }
0x142: {  	v11 =	vld.idx.msk [tilespmem:v6+s6+$0x0], $0xffff;
	[tilespmem:s19+$0xC640] =	vst v13  }
0x143: {  	v12 =	vld.idx.msk [tilespmem:v7+s6+$0x0], $0xffff;
	[tilespmem:s19+$0xC650] =	vst v1  }
0x144: {  	v1 =	vld.idx.msk [tilespmem:v9+s6+$0x0], $0xffff;
	[tilespmem:s19+$0xC660] =	vst v3  }
0x145: {  	[tilespmem:s19+$0xD600] =	vst v14;
	v3 =	vld.idx.msk [tilespmem:v10+s6+$0x0], $0xffff  }
0x146: {  	v13 =	vld.idx.msk [tilespmem:v0+s6+$0x0], $0xffff;
	[tilespmem:s19+$0x11670] =	vst v2  }
0x147: {  	v2 =	vld.idx.msk [tilespmem:v4+s26+$0x0], $0xffff;
	[tilespmem:s19+$0xD610] =	vst v8  }
0x148: {  	v8 =	vld.idx.msk [tilespmem:v5+s26+$0x0], $0xffff;
	[tilespmem:s19+$0xD620] =	vst v11  }
0x149: {  	v11 =	vld.idx.msk [tilespmem:v6+s26+$0x0], $0xffff;
	[tilespmem:s19+$0xD630] =	vst v12  }
0x14a: {  	v12 =	vld.idx.msk [tilespmem:v7+s26+$0x0], $0xffff;
	[tilespmem:s19+$0xD640] =	vst v1  }
0x14b: {  	v1 =	vld.idx.msk [tilespmem:v9+s26+$0x0], $0xffff;
	[tilespmem:s19+$0xD650] =	vst v3  }
0x14c: {  	v3 =	vld.idx.msk [tilespmem:v10+s26+$0x0], $0xffff;
	[tilespmem:s19+$0xD660] =	vst v13  }
0x14d: {  	[tilespmem:s19+$0xE600] =	vst v2;
	v2 =	vld.idx.msk [tilespmem:v0+s26+$0x0], $0xffff  }
0x14e: {  	v13 =	vld.idx.msk [tilespmem:v4+s7+$0x0], $0xffff;
	[tilespmem:s19+$0xE610] =	vst v8  }
0x14f: {  	v8 =	vld.idx.msk [tilespmem:v5+s7+$0x0], $0xffff;
	[tilespmem:s19+$0xE620] =	vst v11  }
0x150: {  	v11 =	vld.idx.msk [tilespmem:v6+s7+$0x0], $0xffff;
	[tilespmem:s19+$0xE630] =	vst v12  }
0x151: {  	v12 =	vld.idx.msk [tilespmem:v7+s7+$0x0], $0xffff;
	[tilespmem:s19+$0xE640] =	vst v1  }
0x152: {  	v1 =	vld.idx.msk [tilespmem:v9+s7+$0x0], $0xffff;
	[tilespmem:s19+$0xE650] =	vst v3  }
0x153: {  	v3 =	vld.idx.msk [tilespmem:v10+s7+$0x0], $0xffff;
	[tilespmem:s19+$0xE660] =	vst v2  }
0x154: {  	[tilespmem:s19+$0xF600] =	vst v13;
	v2 =	vld.idx.msk [tilespmem:v0+s7+$0x0], $0xffff  }
0x155: {  	v13 =	vld.idx.msk [tilespmem:v4+s8+$0x0], $0xffff;
	[tilespmem:s19+$0xF610] =	vst v8  }
0x156: {  	v8 =	vld.idx.msk [tilespmem:v5+s8+$0x0], $0xffff;
	[tilespmem:s19+$0xF620] =	vst v11  }
0x157: {  	v11 =	vld.idx.msk [tilespmem:v6+s8+$0x0], $0xffff;
	[tilespmem:s19+$0xF630] =	vst v12  }
0x158: {  	v12 =	vld.idx.msk [tilespmem:v7+s8+$0x0], $0xffff;
	[tilespmem:s19+$0xF640] =	vst v1  }
0x159: {  	v14 =	vld.idx.msk [tilespmem:v9+s8+$0x0], $0xffff;
	[tilespmem:s19+$0xF650] =	vst v3  }
0x15a: {  	v15 =	vld.idx.msk [tilespmem:v10+s8+$0x0], $0xffff;
	[tilespmem:s19+$0xF660] =	vst v2  }
0x15b: {  	[tilespmem:s19+$0x10600] =	vst v13;
	v13 =	vld.idx.msk [tilespmem:v0+s8+$0x0], $0xffff  }
0x15c: {  	v2 =	vld.idx.msk [tilespmem:v4+s9+$0x0], $0xffff;
	[tilespmem:s19+$0x10610] =	vst v8  }
.Ltmp0:
0x15d: {  	v1 =	vld.idx.msk [tilespmem:v5+s9+$0x0], $0xffff;
	[tilespmem:s19+$0x10620] =	vst v11;
	(pc) =	sbr.rel @p1 .LBB2_3-.Ltmp0, $4  }
0x15e: {  	v3 =	vld.idx.msk [tilespmem:v6+s9+$0x0], $0xffff;
	[tilespmem:s19+$0x10630] =	vst v12  }
0x15f: {  	v4 =	vld.idx.msk [tilespmem:v7+s9+$0x0], $0xffff;
	[tilespmem:s19+$0x10640] =	vst v14  }
0x160: {  	v5 =	vld.idx.msk [tilespmem:v9+s9+$0x0], $0xffff;
	[tilespmem:s19+$0x10650] =	vst v15  }
0x161: {  	s14 =	sadd.s32 $0x200, s14;
	v6 =	vld.idx.msk [tilespmem:v10+s9+$0x0], $0xffff;
	[tilespmem:s19+$0x10660] =	vst v13  }
0x162: {  	_ =	sdelay $0x2  }
0x163: {  	[tilespmem:s19+$0x11600] =	vst v2  }
0x164: {  	v0 =	vld.idx.msk [tilespmem:v0+s9+$0x0], $0xffff;
	[tilespmem:s19+$0x11610] =	vst v1  }
0x165: {  	[tilespmem:s19+$0x11620] =	vst v3  }
0x166: {  	[tilespmem:s19+$0x11630] =	vst v4  }
0x167: {  	[tilespmem:s19+$0x11640] =	vst v5  }
0x168: {  	s13 =	sshrl.u32 s21, $0x3;
	[tilespmem:s19+$0x11650] =	vst v6  }
0x169: {  	s14 =	simm.s32 $0x6600;
	s13 =	sadd.s32 s2, s13;
	[tilespmem:s19+$0x11660] =	vst v0  }
0x16a: {  	[hbm4b:s13+s25] =	stream.strided.scatter [tilespmem:s14], [sflag:$0x3], $0x1000, s26, s25, $0x38;
	[tilespmem:$0x1E600] =	vst v63  }
0x16b: {  	s15 =	simm.s32 $0x7600;
	s21 =	sadd.s32 $0x64000, s13  }
0x16c: {  	[hbm4b:s21+s25] =	stream.strided.scatter [tilespmem:s15], [sflag:$0x3], $0x1000, s26, s25, $0x38;
	[tilespmem:$0x1E600] =	vst v63  }
0x16d: {  	s19 =	sadd.s32 $0xC8000, s13;
	s21 =	simm.s32 $0x8600  }
0x16e: {  	[hbm4b:s19+s25] =	stream.strided.scatter [tilespmem:s21], [sflag:$0x3], $0x1000, s26, s25, $0x38;
	[tilespmem:$0x1E600] =	vst v63  }
0x16f: {  	s19 =	sadd.s32 $0x12C000, s13;
	s21 =	simm.s32 $0x9600  }
0x170: {  	[hbm4b:s19+s25] =	stream.strided.scatter [tilespmem:s21], [sflag:$0x3], $0x1000, s26, s25, $0x38;
	[tilespmem:$0x1E600] =	vst v63  }
0x171: {  	s19 =	sadd.s32 $0x190000, s13;
	s21 =	simm.s32 $0xA600  }
0x172: {  	[hbm4b:s19+s25] =	stream.strided.scatter [tilespmem:s21], [sflag:$0x3], $0x1000, s26, s25, $0x38;
	[tilespmem:$0x1E600] =	vst v63  }
0x173: {  	s19 =	sadd.s32 $0x1F4000, s13;
	s21 =	simm.s32 $0xB600  }
0x174: {  	[hbm4b:s19+s25] =	stream.strided.scatter [tilespmem:s21], [sflag:$0x3], $0x1000, s26, s25, $0x38;
	[tilespmem:$0x1E600] =	vst v63  }
0x175: {  	s19 =	sadd.s32 $0x258000, s13;
	s21 =	simm.s32 $0xC600  }
0x176: {  	[hbm4b:s19+s25] =	stream.strided.scatter [tilespmem:s21], [sflag:$0x3], $0x1000, s26, s25, $0x38;
	[tilespmem:$0x1E600] =	vst v63  }
0x177: {  	s19 =	sadd.s32 $0x2BC000, s13;
	s21 =	simm.s32 $0xD600  }
0x178: {  	[hbm4b:s19+s25] =	stream.strided.scatter [tilespmem:s21], [sflag:$0x3], $0x1000, s26, s25, $0x38;
	[tilespmem:$0x1E600] =	vst v63  }
0x179: {  	s19 =	sadd.s32 $0x320000, s13;
	s21 =	simm.s32 $0xE600  }
0x17a: {  	[hbm4b:s19+s25] =	stream.strided.scatter [tilespmem:s21], [sflag:$0x3], $0x1000, s26, s25, $0x38;
	[tilespmem:$0x1E600] =	vst v63  }
0x17b: {  	s15 =	sadd.s32 $0x384000, s13  }
0x17c: {  	[hbm4b:s15+s25] =	stream.strided.scatter [tilespmem:s28], [sflag:$0x3], $0x1000, s26, s25, $0x38;
	[tilespmem:$0x1E600] =	vst v63  }
0x17d: {  	s19 =	sadd.s32 $0x3E8000, s13  }
0x17e: {  	[hbm4b:s19+s25] =	stream.strided.scatter [tilespmem:s29], [sflag:$0x3], $0x1000, s26, s25, $0x38;
	[tilespmem:$0x1E600] =	vst v63  }
0x17f: {  	s13 =	sadd.s32 $0x44C000, s13;
	s21 =	sadd.s32 s24, s20  }
0x180: {  	[hbm4b:s13+s25] =	stream.strided.scatter [tilespmem:s30], [sflag:$0x3], $0x1000, s26, s25, $0x38;
	[tilespmem:$0x1E600] =	vst v63  }
0x181: {  	s24 =	sshll.u32 s21, $0xE;
	s13 =	sshll.u32 s21, $0x7  }
0x182: {  	s14 =	sand.u32 $0x7E0000, s24;
	s13 =	sand.u32 $0x380, s13  }
0x183: {  	s13 =	sor.u32 s14, s13  }
0x184: {  	_ =	swait.ge [sflag:s16], $0x3000;
	s13 =	sor.u32 s17, s13  }
0x185: {  	[sflag:s16] =	ssyncset.done $0x0;
	s13 =	sshrl.u32 s13, $0x3  }
0x186: {  	s15 =	simm.s32 $0x600;
	[sflag:s16] =	ssyncadd.s32 $0xFFFFD000;
	s13 =	sadd.s32 s1, s13  }
0x187: {  	[tilespmem:s15], [sflag:$0x1] =	stream.strided.gather [hbm4b:s13+s25], $0x1000, s26, s25, $0x38;
	[tilespmem:$0x1E600] =	vst v63  }
0x188: {  	s21 =	simm.s32 $0x1600;
	s19 =	sadd.s32 $0x64000, s13  }
0x189: {  	[tilespmem:s21], [sflag:$0x1] =	stream.strided.gather [hbm4b:s19+s25], $0x1000, s26, s25, $0x38;
	[tilespmem:$0x1E600] =	vst v63  }
0x18a: {  	s24 =	simm.s32 $0x2600;
	s13 =	sadd.s32 $0xC8000, s13  }
0x18b: {  	[tilespmem:s24], [sflag:$0x1] =	stream.strided.gather [hbm4b:s13+s25], $0x1000, s26, s25, $0x38;
	[tilespmem:$0x1E600] =	vst v63  }
0x18c: {  	s13 =	simm.s32 @!p0 $0x4  }
0x18d: {  	_ =	swait.ge @!p0 [sflag:s13], $0xC000  }
0x18e: {  	[sflag:s13] =	ssyncset.done @!p0 $0x0  }
0x18f: {  	s19 =	simm.s32 $0x0;
	[sflag:s13] =	ssyncadd.s32 @!p0 $0xFFFF4000  }
0x190: {  	v0 =	vld [tilespmem:s19+$0x3670]  }
0x191: {  	v1 =	vld [tilespmem:s19+$0x3600]  }
0x192: {  	v2 =	vld [tilespmem:s19+$0x3610]  }
0x193: {  	v3 =	vld [tilespmem:s19+$0x3620]  }
0x194: {  	v4 =	vld [tilespmem:s19+$0x3630]  }
0x195: {  	v5 =	vld [tilespmem:s19+$0x3640]  }
0x196: {  	v6 =	vld [tilespmem:s19+$0x3650]  }
0x197: {  	v7 =	vld [tilespmem:s19+$0x3660]  }
0x198: {  	v36 =	vld [tilespmem:s19+$0x4670]  }
0x199: {  	v51 =	vld [tilespmem:s19+$0x5620]  }
0x19a: {  	v8 =	vld.idx.msk [tilespmem:v0+s3+$0x0], $0xffff  }
0x19b: {  	v9 =	vld.idx.msk [tilespmem:v1+s3+$0x0], $0xffff  }
0x19c: {  	v10 =	vld.idx.msk [tilespmem:v2+s3+$0x0], $0xffff  }
0x19d: {  	v11 =	vld.idx.msk [tilespmem:v3+s3+$0x0], $0xffff  }
0x19e: {  	v12 =	vld.idx.msk [tilespmem:v4+s3+$0x0], $0xffff  }
0x19f: {  	v13 =	vld.idx.msk [tilespmem:v5+s3+$0x0], $0xffff  }
0x1a0: {  	v14 =	vld.idx.msk [tilespmem:v6+s3+$0x0], $0xffff  }
0x1a1: {  	v33 =	vld.idx.msk [tilespmem:v7+s3+$0x0], $0xffff;
	[tilespmem:s19+$0x12670] =	vst v8  }
0x1a2: {  	[tilespmem:s19+$0x12600] =	vst v9;
	v8 =	vld.idx.msk [tilespmem:v0+s25+$0x0], $0xffff  }
0x1a3: {  	[tilespmem:s19+$0x12610] =	vst v10;
	v34 =	vld.idx.msk [tilespmem:v1+s25+$0x0], $0xffff  }
0x1a4: {  	[tilespmem:s19+$0x12620] =	vst v11;
	v35 =	vld.idx.msk [tilespmem:v2+s25+$0x0], $0xffff  }
0x1a5: {  	[tilespmem:s19+$0x12640] =	vst v13;
	v15 =	vld.idx.msk [tilespmem:v3+s25+$0x0], $0xffff  }
0x1a6: {  	[tilespmem:s19+$0x12650] =	vst v14;
	v13 =	vld.idx.msk [tilespmem:v5+s25+$0x0], $0xffff  }
0x1a7: {  	[tilespmem:s19+$0x12660] =	vst v33;
	v37 =	vld.idx.msk [tilespmem:v6+s25+$0x0], $0xffff  }
0x1a8: {  	[tilespmem:s19+$0x12630] =	vst v12;
	v38 =	vld.idx.msk [tilespmem:v7+s25+$0x0], $0xffff  }
0x1a9: {  	[tilespmem:s19+$0x13670] =	vst v8;
	v8 =	vld.idx.msk [tilespmem:v4+s25+$0x0], $0xffff  }
0x1aa: {  	[tilespmem:s19+$0x13600] =	vst v34;
	v0 =	vld.idx.msk [tilespmem:v0+s31+$0x0], $0xffff  }
0x1ab: {  	[tilespmem:s19+$0x13610] =	vst v35;
	v1 =	vld.idx.msk [tilespmem:v1+s31+$0x0], $0xffff  }
0x1ac: {  	[tilespmem:s19+$0x13620] =	vst v15;
	v2 =	vld.idx.msk [tilespmem:v2+s31+$0x0], $0xffff  }
0x1ad: {  	[tilespmem:s19+$0x13640] =	vst v13;
	v3 =	vld.idx.msk [tilespmem:v3+s31+$0x0], $0xffff  }
0x1ae: {  	[tilespmem:s19+$0x13650] =	vst v37;
	v5 =	vld.idx.msk [tilespmem:v5+s31+$0x0], $0xffff  }
0x1af: {  	v6 =	vld.idx.msk [tilespmem:v6+s31+$0x0], $0xffff  }
0x1b0: {  	[tilespmem:s19+$0x13630] =	vst v8;
	v8 =	vld [tilespmem:s19+$0x4660]  }
0x1b1: {  	[tilespmem:s19+$0x13660] =	vst v38;
	v4 =	vld.idx.msk [tilespmem:v4+s31+$0x0], $0xffff  }
0x1b2: {  	[tilespmem:s19+$0x14600] =	vst v1;
	v1 =	vld.idx.msk [tilespmem:v7+s31+$0x0], $0xffff  }
0x1b3: {  	[tilespmem:s19+$0x14610] =	vst v2;
	v2 =	vld [tilespmem:s19+$0x4600]  }
0x1b4: {  	[tilespmem:s19+$0x14670] =	vst v0;
	v7 =	vld [tilespmem:s19+$0x4610]  }
0x1b5: {  	[tilespmem:s19+$0x14620] =	vst v3;
	v0 =	vld.idx.msk [tilespmem:v36+s0+$0x0], $0xffff  }
0x1b6: {  	v3 =	vld [tilespmem:s19+$0x4620];
	[tilespmem:s19+$0x14640] =	vst v5  }
0x1b7: {  	[tilespmem:s19+$0x14650] =	vst v6;
	v5 =	vld [tilespmem:s19+$0x4640]  }
0x1b8: {  	v6 =	vld [tilespmem:s19+$0x4650];
	[tilespmem:s19+$0x14630] =	vst v4  }
0x1b9: {  	v4 =	vld [tilespmem:s19+$0x4630];
	[tilespmem:s19+$0x14660] =	vst v1  }
0x1ba: {  	v1 =	vld [tilespmem:s19+$0x5670];
	[tilespmem:s19+$0x15670] =	vst v0  }
0x1bb: {  	v0 =	vld.idx.msk [tilespmem:v36+s10+$0x0], $0xffff  }
0x1bc: {  	v43 =	vld.idx.msk [tilespmem:v8+s0+$0x0], $0xffff  }
0x1bd: {  	v39 =	vld.idx.msk [tilespmem:v2+s0+$0x0], $0xffff  }
0x1be: {  	v40 =	vld.idx.msk [tilespmem:v7+s0+$0x0], $0xffff  }
0x1bf: {  	v41 =	vld.idx.msk [tilespmem:v3+s0+$0x0], $0xffff  }
0x1c0: {  	v13 =	vld.idx.msk [tilespmem:v5+s0+$0x0], $0xffff  }
0x1c1: {  	v14 =	vld.idx.msk [tilespmem:v6+s0+$0x0], $0xffff;
	[tilespmem:s19+$0x16670] =	vst v0  }
0x1c2: {  	[tilespmem:s19+$0x15660] =	vst v43;
	v0 =	vld.idx.msk [tilespmem:v36+s4+$0x0], $0xffff  }
0x1c3: {  	v42 =	vld.idx.msk [tilespmem:v4+s0+$0x0], $0xffff;
	[tilespmem:s19+$0x15600] =	vst v39  }
0x1c4: {  	[tilespmem:s19+$0x15610] =	vst v40;
	v50 =	vld.idx.msk [tilespmem:v8+s10+$0x0], $0xffff  }
0x1c5: {  	[tilespmem:s19+$0x15620] =	vst v41;
	v44 =	vld.idx.msk [tilespmem:v2+s10+$0x0], $0xffff  }
0x1c6: {  	[tilespmem:s19+$0x15640] =	vst v13;
	v45 =	vld.idx.msk [tilespmem:v7+s10+$0x0], $0xffff  }
0x1c7: {  	[tilespmem:s19+$0x15650] =	vst v14;
	v46 =	vld.idx.msk [tilespmem:v3+s10+$0x0], $0xffff  }
0x1c8: {  	v49 =	vld.idx.msk [tilespmem:v6+s10+$0x0], $0xffff;
	[tilespmem:s19+$0x17670] =	vst v0  }
0x1c9: {  	[tilespmem:s19+$0x15630] =	vst v42;
	v0 =	vld.idx.msk [tilespmem:v1+s5+$0x0], $0xffff  }
0x1ca: {  	v47 =	vld.idx.msk [tilespmem:v4+s10+$0x0], $0xffff;
	[tilespmem:s19+$0x16600] =	vst v44  }
0x1cb: {  	[tilespmem:s19+$0x16610] =	vst v45;
	v2 =	vld.idx.msk [tilespmem:v2+s4+$0x0], $0xffff  }
0x1cc: {  	[tilespmem:s19+$0x16620] =	vst v46;
	v7 =	vld.idx.msk [tilespmem:v7+s4+$0x0], $0xffff  }
0x1cd: {  	[tilespmem:s19+$0x16650] =	vst v49;
	v3 =	vld.idx.msk [tilespmem:v3+s4+$0x0], $0xffff  }
0x1ce: {  	[tilespmem:s19+$0x16660] =	vst v50;
	v6 =	vld.idx.msk [tilespmem:v6+s4+$0x0], $0xffff  }
0x1cf: {  	[tilespmem:s19+$0x18670] =	vst v0;
	v0 =	vld.idx.msk [tilespmem:v5+s10+$0x0], $0xffff  }
0x1d0: {  	[tilespmem:s19+$0x16630] =	vst v47;
	v48 =	vld.idx.msk [tilespmem:v1+s6+$0x0], $0xffff  }
0x1d1: {  	v4 =	vld.idx.msk [tilespmem:v4+s4+$0x0], $0xffff;
	[tilespmem:s19+$0x17600] =	vst v2  }
0x1d2: {  	v2 =	vld.idx.msk [tilespmem:v8+s4+$0x0], $0xffff;
	[tilespmem:s19+$0x17610] =	vst v7  }
0x1d3: {  	v7 =	vld [tilespmem:s19+$0x5600];
	[tilespmem:s19+$0x17620] =	vst v3  }
0x1d4: {  	v53 =	vld.idx.msk [tilespmem:v51+s5+$0x0], $0xffff  }
0x1d5: {  	v8 =	vld [tilespmem:s19+$0x5610];
	[tilespmem:s19+$0x16640] =	vst v0  }
0x1d6: {  	[tilespmem:s19+$0x19670] =	vst v48;
	v5 =	vld.idx.msk [tilespmem:v5+s4+$0x0], $0xffff  }
0x1d7: {  	[tilespmem:s19+$0x17630] =	vst v4;
	v4 =	vld [tilespmem:s19+$0x5630]  }
0x1d8: {  	[tilespmem:s19+$0x17650] =	vst v6;
	v0 =	vld.idx.msk [tilespmem:v1+s26+$0x0], $0xffff  }
0x1d9: {  	v6 =	vld [tilespmem:s19+$0x5650];
	[tilespmem:s19+$0x18620] =	vst v53  }
0x1da: {  	v11 =	vld.idx.msk [tilespmem:v51+s6+$0x0], $0xffff  }
0x1db: {  	[tilespmem:s19+$0x17660] =	vst v2;
	v2 =	vld.idx.msk [tilespmem:v7+s5+$0x0], $0xffff  }
0x1dc: {  	[tilespmem:s19+$0x17640] =	vst v5;
	v5 =	vld [tilespmem:s19+$0x5640]  }
0x1dd: {  	[tilespmem:s19+$0x1A670] =	vst v0;
	v0 =	vld [tilespmem:s19+$0x5660]  }
0x1de: {  	v3 =	vld.idx.msk [tilespmem:v1+s7+$0x0], $0xffff  }
0x1df: {  	v52 =	vld.idx.msk [tilespmem:v8+s5+$0x0], $0xffff  }
0x1e0: {  	[tilespmem:s19+$0x19620] =	vst v11;
	v54 =	vld.idx.msk [tilespmem:v4+s5+$0x0], $0xffff  }
0x1e1: {  	[tilespmem:s19+$0x18600] =	vst v2;
	v2 =	vld.idx.msk [tilespmem:v6+s5+$0x0], $0xffff  }
0x1e2: {  	v11 =	vld.idx.msk [tilespmem:v51+s26+$0x0], $0xffff  }
0x1e3: {  	v57 =	vld.idx.msk [tilespmem:v7+s6+$0x0], $0xffff;
	[tilespmem:s19+$0x1B670] =	vst v3  }
0x1e4: {  	v3 =	vld.idx.msk [tilespmem:v1+s8+$0x0], $0xffff  }
0x1e5: {  	[tilespmem:s19+$0x18610] =	vst v52;
	v55 =	vld.idx.msk [tilespmem:v5+s5+$0x0], $0xffff  }
0x1e6: {  	[tilespmem:s19+$0x18630] =	vst v54;
	v56 =	vld.idx.msk [tilespmem:v0+s5+$0x0], $0xffff  }
0x1e7: {  	[tilespmem:s19+$0x18650] =	vst v2;
	v12 =	vld.idx.msk [tilespmem:v4+s6+$0x0], $0xffff  }
0x1e8: {  	[tilespmem:s19+$0x1A620] =	vst v11;
	v58 =	vld.idx.msk [tilespmem:v6+s6+$0x0], $0xffff  }
0x1e9: {  	[tilespmem:s19+$0x19600] =	vst v57;
	v11 =	vld.idx.msk [tilespmem:v51+s7+$0x0], $0xffff  }
0x1ea: {  	[tilespmem:s19+$0x1C670] =	vst v3;
	v3 =	vld.idx.msk [tilespmem:v8+s6+$0x0], $0xffff  }
0x1eb: {  	[tilespmem:s19+$0x18640] =	vst v55;
	v1 =	vld.idx.msk [tilespmem:v1+s9+$0x0], $0xffff  }
0x1ec: {  	v2 =	vld.idx.msk [tilespmem:v5+s6+$0x0], $0xffff;
	[tilespmem:s19+$0x18660] =	vst v56  }
0x1ed: {  	[tilespmem:s19+$0x19630] =	vst v12;
	v59 =	vld.idx.msk [tilespmem:v0+s6+$0x0], $0xffff  }
0x1ee: {  	[tilespmem:s19+$0x19650] =	vst v58;
	v12 =	vld.idx.msk [tilespmem:v4+s26+$0x0], $0xffff  }
0x1ef: {  	v10 =	vld.idx.msk [tilespmem:v6+s26+$0x0], $0xffff;
	[tilespmem:s19+$0x19610] =	vst v3  }
0x1f0: {  	[tilespmem:s19+$0x1D670] =	vst v1;
	v1 =	vld.idx.msk [tilespmem:v7+s26+$0x0], $0xffff  }
0x1f1: {  	[tilespmem:s19+$0x1B620] =	vst v11;
	v3 =	vld.idx.msk [tilespmem:v8+s26+$0x0], $0xffff  }
0x1f2: {  	v11 =	vld.idx.msk [tilespmem:v51+s8+$0x0], $0xffff;
	[tilespmem:s19+$0x19640] =	vst v2  }
0x1f3: {  	v2 =	vld.idx.msk [tilespmem:v5+s26+$0x0], $0xffff;
	[tilespmem:s19+$0x1A630] =	vst v12  }
0x1f4: {  	[tilespmem:s19+$0x19660] =	vst v59;
	v12 =	vld.idx.msk [tilespmem:v4+s7+$0x0], $0xffff  }
0x1f5: {  	[tilespmem:s19+$0x1A600] =	vst v1;
	v1 =	vld.idx.msk [tilespmem:v0+s26+$0x0], $0xffff  }
0x1f6: {  	[tilespmem:s19+$0x1A610] =	vst v3;
	v60 =	vld.idx.msk [tilespmem:v7+s7+$0x0], $0xffff  }
0x1f7: {  	[tilespmem:s19+$0x1A650] =	vst v10;
	v3 =	vld.idx.msk [tilespmem:v8+s7+$0x0], $0xffff  }
0x1f8: {  	v10 =	vld.idx.msk [tilespmem:v6+s7+$0x0], $0xffff;
	[tilespmem:s19+$0x1A640] =	vst v2  }
0x1f9: {  	v2 =	vld.idx.msk [tilespmem:v5+s7+$0x0], $0xffff;
	[tilespmem:s19+$0x1B630] =	vst v12  }
0x1fa: {  	v12 =	vld.idx.msk [tilespmem:v4+s8+$0x0], $0xffff;
	[tilespmem:s19+$0x1A660] =	vst v1  }
0x1fb: {  	[tilespmem:s19+$0x1B600] =	vst v60;
	v1 =	vld.idx.msk [tilespmem:v0+s7+$0x0], $0xffff  }
0x1fc: {  	[tilespmem:s19+$0x1B610] =	vst v3;
	v13 =	vld.idx.msk [tilespmem:v7+s8+$0x0], $0xffff  }
0x1fd: {  	[tilespmem:s19+$0x1B650] =	vst v10;
	v61 =	vld.idx.msk [tilespmem:v8+s8+$0x0], $0xffff  }
0x1fe: {  	[tilespmem:s19+$0x1C620] =	vst v11;
	v10 =	vld.idx.msk [tilespmem:v6+s8+$0x0], $0xffff  }
0x1ff: {  	[tilespmem:s19+$0x1B640] =	vst v2;
	v2 =	vld.idx.msk [tilespmem:v51+s9+$0x0], $0xffff  }
0x200: {  	v62 =	vld.idx.msk [tilespmem:v5+s8+$0x0], $0xffff;
	[tilespmem:s19+$0x1B660] =	vst v1  }
0x201: {  	[tilespmem:s19+$0x1C600] =	vst v13;
	v63 =	vld.idx.msk [tilespmem:v0+s8+$0x0], $0xffff  }
0x202: {  	[tilespmem:s19+$0x1C610] =	vst v61;
	v3 =	vld.idx.msk [tilespmem:v7+s9+$0x0], $0xffff  }
0x203: {  	[tilespmem:s19+$0x1C630] =	vst v12;
	v1 =	vld.idx.msk [tilespmem:v8+s9+$0x0], $0xffff  }
0x204: {  	[tilespmem:s19+$0x1C650] =	vst v10;
	v4 =	vld.idx.msk [tilespmem:v4+s9+$0x0], $0xffff  }
0x205: {  	v6 =	vld.idx.msk [tilespmem:v6+s9+$0x0], $0xffff;
	[tilespmem:s19+$0x1C640] =	vst v62  }
0x206: {  	s14 =	simm.s32 $0x200;
	s13 =	simm.s32 $0x0;
	v5 =	vld.idx.msk [tilespmem:v5+s9+$0x0], $0xffff;
	[tilespmem:s19+$0x1C660] =	vst v63  }
.LBB2_5:
0x207: {  	s15 =	sshra.s32 s14, $0x2;
	s13 =	sadd.s32 $0x8, s13;
	[tilespmem:s19+$0x1D600] =	vst v3;
	v0 =	vld.idx.msk [tilespmem:v0+s9+$0x0], $0xffff  }
0x208: {  	v3 =	vld [tilespmem:s15+$0x3670];
	p0 =	slt.u32 s13, $0xF8;
	[tilespmem:s19+$0x1D610] =	vst v1  }
0x209: {  	v1 =	vld [tilespmem:s15+$0x3600];
	[tilespmem:s19+$0x1D620] =	vst v2  }
0x20a: {  	v2 =	vld [tilespmem:s15+$0x3610];
	[tilespmem:s19+$0x1D630] =	vst v4  }
0x20b: {  	v4 =	vld [tilespmem:s15+$0x3620];
	[tilespmem:s19+$0x1D640] =	vst v5  }
0x20c: {  	v5 =	vld [tilespmem:s15+$0x3630];
	[tilespmem:s19+$0x1D650] =	vst v6  }
0x20d: {  	v6 =	vld [tilespmem:s15+$0x3640];
	[tilespmem:s19+$0x1D660] =	vst v0;
	s19 =	smov.u32 s15  }
0x20e: {  	v0 =	vld [tilespmem:s19+$0x3650]  }
0x20f: {  	v7 =	vld [tilespmem:s19+$0x3660]  }
0x210: {  	v8 =	vld.idx.msk [tilespmem:v3+s3+$0x0], $0xffff  }
0x211: {  	v9 =	vld.idx.msk [tilespmem:v1+s3+$0x0], $0xffff  }
0x212: {  	v10 =	vld.idx.msk [tilespmem:v2+s3+$0x0], $0xffff  }
0x213: {  	v11 =	vld.idx.msk [tilespmem:v4+s3+$0x0], $0xffff  }
0x214: {  	v12 =	vld.idx.msk [tilespmem:v5+s3+$0x0], $0xffff  }
0x215: {  	v13 =	vld.idx.msk [tilespmem:v6+s3+$0x0], $0xffff  }
0x216: {  	v14 =	vld.idx.msk [tilespmem:v0+s3+$0x0], $0xffff;
	[tilespmem:s19+$0x12670] =	vst v8  }
0x217: {  	[tilespmem:s19+$0x12600] =	vst v9;
	v8 =	vld.idx.msk [tilespmem:v3+s25+$0x0], $0xffff  }
0x218: {  	[tilespmem:s19+$0x12610] =	vst v10;
	v9 =	vld.idx.msk [tilespmem:v7+s3+$0x0], $0xffff  }
0x219: {  	v10 =	vld.idx.msk [tilespmem:v1+s25+$0x0], $0xffff;
	[tilespmem:s19+$0x12620] =	vst v11  }
0x21a: {  	v11 =	vld.idx.msk [tilespmem:v2+s25+$0x0], $0xffff;
	[tilespmem:s19+$0x12630] =	vst v12  }
0x21b: {  	v12 =	vld.idx.msk [tilespmem:v4+s25+$0x0], $0xffff;
	[tilespmem:s19+$0x12640] =	vst v13  }
0x21c: {  	v13 =	vld.idx.msk [tilespmem:v5+s25+$0x0], $0xffff;
	[tilespmem:s19+$0x12650] =	vst v14  }
0x21d: {  	v14 =	vld [tilespmem:s19+$0x4670];
	[tilespmem:s19+$0x13670] =	vst v8  }
0x21e: {  	[tilespmem:s19+$0x12660] =	vst v9;
	v3 =	vld.idx.msk [tilespmem:v3+s31+$0x0], $0xffff  }
0x21f: {  	[tilespmem:s19+$0x13600] =	vst v10;
	v8 =	vld.idx.msk [tilespmem:v6+s25+$0x0], $0xffff  }
0x220: {  	[tilespmem:s19+$0x13610] =	vst v11;
	v9 =	vld.idx.msk [tilespmem:v0+s25+$0x0], $0xffff  }
0x221: {  	[tilespmem:s19+$0x13620] =	vst v12;
	v10 =	vld.idx.msk [tilespmem:v7+s25+$0x0], $0xffff  }
0x222: {  	v1 =	vld.idx.msk [tilespmem:v1+s31+$0x0], $0xffff;
	[tilespmem:s19+$0x13630] =	vst v13  }
0x223: {  	v2 =	vld.idx.msk [tilespmem:v2+s31+$0x0], $0xffff  }
0x224: {  	v4 =	vld.idx.msk [tilespmem:v4+s31+$0x0], $0xffff;
	[tilespmem:s19+$0x14670] =	vst v3  }
0x225: {  	[tilespmem:s19+$0x13640] =	vst v8;
	v3 =	vld.idx.msk [tilespmem:v14+s0+$0x0], $0xffff  }
0x226: {  	v5 =	vld.idx.msk [tilespmem:v5+s31+$0x0], $0xffff;
	[tilespmem:s19+$0x13650] =	vst v9  }
0x227: {  	v6 =	vld.idx.msk [tilespmem:v6+s31+$0x0], $0xffff;
	[tilespmem:s19+$0x13660] =	vst v10  }
0x228: {  	[tilespmem:s19+$0x14600] =	vst v1;
	v0 =	vld.idx.msk [tilespmem:v0+s31+$0x0], $0xffff  }
0x229: {  	[tilespmem:s19+$0x14610] =	vst v2;
	v1 =	vld.idx.msk [tilespmem:v7+s31+$0x0], $0xffff  }
0x22a: {  	v2 =	vld [tilespmem:s19+$0x4600];
	[tilespmem:s19+$0x14620] =	vst v4  }
0x22b: {  	v4 =	vld [tilespmem:s19+$0x4610];
	[tilespmem:s19+$0x15670] =	vst v3  }
0x22c: {  	[tilespmem:s19+$0x14630] =	vst v5;
	v3 =	vld.idx.msk [tilespmem:v14+s10+$0x0], $0xffff  }
0x22d: {  	v5 =	vld [tilespmem:s19+$0x4620];
	[tilespmem:s19+$0x14640] =	vst v6  }
0x22e: {  	v6 =	vld [tilespmem:s19+$0x4630];
	[tilespmem:s19+$0x14650] =	vst v0  }
0x22f: {  	v0 =	vld [tilespmem:s19+$0x4640];
	[tilespmem:s19+$0x14660] =	vst v1  }
0x230: {  	v1 =	vld [tilespmem:s19+$0x4650]  }
0x231: {  	v7 =	vld [tilespmem:s19+$0x4660]  }
0x232: {  	v8 =	vld [tilespmem:s19+$0x5670];
	[tilespmem:s19+$0x16670] =	vst v3  }
0x233: {  	v3 =	vld.idx.msk [tilespmem:v14+s4+$0x0], $0xffff  }
0x234: {  	v9 =	vld.idx.msk [tilespmem:v2+s0+$0x0], $0xffff  }
0x235: {  	v10 =	vld.idx.msk [tilespmem:v4+s0+$0x0], $0xffff  }
0x236: {  	v11 =	vld.idx.msk [tilespmem:v5+s0+$0x0], $0xffff  }
0x237: {  	v12 =	vld.idx.msk [tilespmem:v6+s0+$0x0], $0xffff  }
0x238: {  	v13 =	vld.idx.msk [tilespmem:v0+s0+$0x0], $0xffff  }
0x239: {  	v14 =	vld.idx.msk [tilespmem:v1+s0+$0x0], $0xffff;
	[tilespmem:s19+$0x17670] =	vst v3  }
0x23a: {  	[tilespmem:s19+$0x15600] =	vst v9;
	v3 =	vld.idx.msk [tilespmem:v8+s5+$0x0], $0xffff  }
0x23b: {  	[tilespmem:s19+$0x15610] =	vst v10;
	v9 =	vld.idx.msk [tilespmem:v7+s0+$0x0], $0xffff  }
0x23c: {  	v10 =	vld.idx.msk [tilespmem:v2+s10+$0x0], $0xffff;
	[tilespmem:s19+$0x15620] =	vst v11  }
0x23d: {  	v11 =	vld.idx.msk [tilespmem:v4+s10+$0x0], $0xffff;
	[tilespmem:s19+$0x15630] =	vst v12  }
0x23e: {  	v12 =	vld.idx.msk [tilespmem:v5+s10+$0x0], $0xffff;
	[tilespmem:s19+$0x15640] =	vst v13  }
0x23f: {  	v13 =	vld.idx.msk [tilespmem:v6+s10+$0x0], $0xffff;
	[tilespmem:s19+$0x15650] =	vst v14  }
0x240: {  	v14 =	vld.idx.msk [tilespmem:v0+s10+$0x0], $0xffff;
	[tilespmem:s19+$0x18670] =	vst v3  }
0x241: {  	[tilespmem:s19+$0x15660] =	vst v9;
	v3 =	vld.idx.msk [tilespmem:v8+s6+$0x0], $0xffff  }
0x242: {  	[tilespmem:s19+$0x16600] =	vst v10;
	v9 =	vld.idx.msk [tilespmem:v1+s10+$0x0], $0xffff  }
0x243: {  	[tilespmem:s19+$0x16610] =	vst v11;
	v10 =	vld.idx.msk [tilespmem:v7+s10+$0x0], $0xffff  }
0x244: {  	v2 =	vld.idx.msk [tilespmem:v2+s4+$0x0], $0xffff;
	[tilespmem:s19+$0x16620] =	vst v12  }
0x245: {  	v4 =	vld.idx.msk [tilespmem:v4+s4+$0x0], $0xffff;
	[tilespmem:s19+$0x16630] =	vst v13  }
0x246: {  	v5 =	vld.idx.msk [tilespmem:v5+s4+$0x0], $0xffff;
	[tilespmem:s19+$0x16640] =	vst v14  }
0x247: {  	v6 =	vld.idx.msk [tilespmem:v6+s4+$0x0], $0xffff;
	[tilespmem:s19+$0x19670] =	vst v3  }
0x248: {  	[tilespmem:s19+$0x16650] =	vst v9;
	v3 =	vld.idx.msk [tilespmem:v8+s26+$0x0], $0xffff  }
0x249: {  	v0 =	vld.idx.msk [tilespmem:v0+s4+$0x0], $0xffff;
	[tilespmem:s19+$0x16660] =	vst v10  }
0x24a: {  	[tilespmem:s19+$0x17600] =	vst v2;
	v1 =	vld.idx.msk [tilespmem:v1+s4+$0x0], $0xffff  }
0x24b: {  	[tilespmem:s19+$0x17610] =	vst v4;
	v2 =	vld.idx.msk [tilespmem:v7+s4+$0x0], $0xffff  }
0x24c: {  	v4 =	vld [tilespmem:s19+$0x5600];
	[tilespmem:s19+$0x17620] =	vst v5  }
0x24d: {  	v5 =	vld [tilespmem:s19+$0x5610];
	[tilespmem:s19+$0x17630] =	vst v6  }
0x24e: {  	v6 =	vld [tilespmem:s19+$0x5620];
	[tilespmem:s19+$0x1A670] =	vst v3  }
0x24f: {  	[tilespmem:s19+$0x17640] =	vst v0;
	v3 =	vld.idx.msk [tilespmem:v8+s7+$0x0], $0xffff  }
0x250: {  	v7 =	vld [tilespmem:s19+$0x5630];
	[tilespmem:s19+$0x17650] =	vst v1  }
0x251: {  	v9 =	vld [tilespmem:s19+$0x5640];
	[tilespmem:s19+$0x17660] =	vst v2  }
0x252: {  	v10 =	vld [tilespmem:s19+$0x5650]  }
0x253: {  	v0 =	vld [tilespmem:s19+$0x5660]  }
0x254: {  	v1 =	vld.idx.msk [tilespmem:v4+s5+$0x0], $0xffff  }
0x255: {  	v2 =	vld.idx.msk [tilespmem:v5+s5+$0x0], $0xffff;
	[tilespmem:s19+$0x1B670] =	vst v3  }
0x256: {  	v3 =	vld.idx.msk [tilespmem:v8+s8+$0x0], $0xffff  }
0x257: {  	v11 =	vld.idx.msk [tilespmem:v6+s5+$0x0], $0xffff  }
0x258: {  	v12 =	vld.idx.msk [tilespmem:v7+s5+$0x0], $0xffff  }
0x259: {  	v13 =	vld.idx.msk [tilespmem:v9+s5+$0x0], $0xffff  }
0x25a: {  	[tilespmem:s19+$0x18600] =	vst v1;
	v1 =	vld.idx.msk [tilespmem:v10+s5+$0x0], $0xffff  }
0x25b: {  	[tilespmem:s19+$0x18610] =	vst v2;
	v2 =	vld.idx.msk [tilespmem:v0+s5+$0x0], $0xffff  }
0x25c: {  	v14 =	vld.idx.msk [tilespmem:v4+s6+$0x0], $0xffff;
	[tilespmem:s19+$0x1C670] =	vst v3  }
0x25d: {  	[tilespmem:s19+$0x18620] =	vst v11;
	v3 =	vld.idx.msk [tilespmem:v8+s9+$0x0], $0xffff  }
0x25e: {  	v8 =	vld.idx.msk [tilespmem:v5+s6+$0x0], $0xffff;
	[tilespmem:s19+$0x18630] =	vst v12  }
0x25f: {  	v11 =	vld.idx.msk [tilespmem:v6+s6+$0x0], $0xffff;
	[tilespmem:s19+$0x18640] =	vst v13  }
0x260: {  	v12 =	vld.idx.msk [tilespmem:v7+s6+$0x0], $0xffff;
	[tilespmem:s19+$0x18650] =	vst v1  }
0x261: {  	v1 =	vld.idx.msk [tilespmem:v9+s6+$0x0], $0xffff;
	[tilespmem:s19+$0x18660] =	vst v2  }
0x262: {  	[tilespmem:s19+$0x19600] =	vst v14;
	v2 =	vld.idx.msk [tilespmem:v10+s6+$0x0], $0xffff  }
0x263: {  	v13 =	vld.idx.msk [tilespmem:v0+s6+$0x0], $0xffff;
	[tilespmem:s19+$0x1D670] =	vst v3  }
0x264: {  	v3 =	vld.idx.msk [tilespmem:v4+s26+$0x0], $0xffff;
	[tilespmem:s19+$0x19610] =	vst v8  }
0x265: {  	v8 =	vld.idx.msk [tilespmem:v5+s26+$0x0], $0xffff;
	[tilespmem:s19+$0x19620] =	vst v11  }
0x266: {  	v11 =	vld.idx.msk [tilespmem:v6+s26+$0x0], $0xffff;
	[tilespmem:s19+$0x19630] =	vst v12  }
0x267: {  	v12 =	vld.idx.msk [tilespmem:v7+s26+$0x0], $0xffff;
	[tilespmem:s19+$0x19640] =	vst v1  }
0x268: {  	v1 =	vld.idx.msk [tilespmem:v9+s26+$0x0], $0xffff;
	[tilespmem:s19+$0x19650] =	vst v2  }
0x269: {  	v2 =	vld.idx.msk [tilespmem:v10+s26+$0x0], $0xffff;
	[tilespmem:s19+$0x19660] =	vst v13  }
0x26a: {  	[tilespmem:s19+$0x1A600] =	vst v3;
	v3 =	vld.idx.msk [tilespmem:v0+s26+$0x0], $0xffff  }
0x26b: {  	v13 =	vld.idx.msk [tilespmem:v4+s7+$0x0], $0xffff;
	[tilespmem:s19+$0x1A610] =	vst v8  }
0x26c: {  	v8 =	vld.idx.msk [tilespmem:v5+s7+$0x0], $0xffff;
	[tilespmem:s19+$0x1A620] =	vst v11  }
0x26d: {  	v11 =	vld.idx.msk [tilespmem:v6+s7+$0x0], $0xffff;
	[tilespmem:s19+$0x1A630] =	vst v12  }
0x26e: {  	v12 =	vld.idx.msk [tilespmem:v7+s7+$0x0], $0xffff;
	[tilespmem:s19+$0x1A640] =	vst v1  }
0x26f: {  	v1 =	vld.idx.msk [tilespmem:v9+s7+$0x0], $0xffff;
	[tilespmem:s19+$0x1A650] =	vst v2  }
0x270: {  	v2 =	vld.idx.msk [tilespmem:v10+s7+$0x0], $0xffff;
	[tilespmem:s19+$0x1A660] =	vst v3  }
0x271: {  	[tilespmem:s19+$0x1B600] =	vst v13;
	v3 =	vld.idx.msk [tilespmem:v0+s7+$0x0], $0xffff  }
0x272: {  	v13 =	vld.idx.msk [tilespmem:v4+s8+$0x0], $0xffff;
	[tilespmem:s19+$0x1B610] =	vst v8  }
0x273: {  	v8 =	vld.idx.msk [tilespmem:v5+s8+$0x0], $0xffff;
	[tilespmem:s19+$0x1B620] =	vst v11  }
0x274: {  	v11 =	vld.idx.msk [tilespmem:v6+s8+$0x0], $0xffff;
	[tilespmem:s19+$0x1B630] =	vst v12  }
0x275: {  	v12 =	vld.idx.msk [tilespmem:v7+s8+$0x0], $0xffff;
	[tilespmem:s19+$0x1B640] =	vst v1  }
0x276: {  	v14 =	vld.idx.msk [tilespmem:v9+s8+$0x0], $0xffff;
	[tilespmem:s19+$0x1B650] =	vst v2  }
0x277: {  	v15 =	vld.idx.msk [tilespmem:v10+s8+$0x0], $0xffff;
	[tilespmem:s19+$0x1B660] =	vst v3  }
0x278: {  	[tilespmem:s19+$0x1C600] =	vst v13;
	v13 =	vld.idx.msk [tilespmem:v0+s8+$0x0], $0xffff  }
0x279: {  	v3 =	vld.idx.msk [tilespmem:v4+s9+$0x0], $0xffff;
	[tilespmem:s19+$0x1C610] =	vst v8  }
.Ltmp1:
0x27a: {  	v1 =	vld.idx.msk [tilespmem:v5+s9+$0x0], $0xffff;
	[tilespmem:s19+$0x1C620] =	vst v11;
	(pc) =	sbr.rel @p0 .LBB2_5-.Ltmp1, $4  }
0x27b: {  	v2 =	vld.idx.msk [tilespmem:v6+s9+$0x0], $0xffff;
	[tilespmem:s19+$0x1C630] =	vst v12  }
0x27c: {  	v4 =	vld.idx.msk [tilespmem:v7+s9+$0x0], $0xffff;
	[tilespmem:s19+$0x1C640] =	vst v14  }
0x27d: {  	v5 =	vld.idx.msk [tilespmem:v9+s9+$0x0], $0xffff;
	[tilespmem:s19+$0x1C650] =	vst v15  }
0x27e: {  	s14 =	sadd.s32 $0x200, s14;
	v6 =	vld.idx.msk [tilespmem:v10+s9+$0x0], $0xffff;
	[tilespmem:s19+$0x1C660] =	vst v13  }
0x27f: {  	_ =	sdelay $0x2  }
0x280: {  	[tilespmem:s19+$0x1D600] =	vst v3  }
0x281: {  	v0 =	vld.idx.msk [tilespmem:v0+s9+$0x0], $0xffff;
	[tilespmem:s19+$0x1D610] =	vst v1  }
0x282: {  	[tilespmem:s19+$0x1D620] =	vst v2  }
0x283: {  	[tilespmem:s19+$0x1D630] =	vst v4  }
0x284: {  	[tilespmem:s19+$0x1D640] =	vst v5  }
0x285: {  	[tilespmem:s19+$0x1D650] =	vst v6  }
0x286: {  	s13 =	sadd.s32 s2, s23;
	s14 =	simm.s32 $0x12600;
	[tilespmem:s19+$0x1D660] =	vst v0  }
0x287: {  	[hbm4b:s13+s25] =	stream.strided.scatter [tilespmem:s14], [sflag:$0x4], $0x1000, s26, s25, $0x38;
	[tilespmem:$0x1E600] =	vst v63  }
0x288: {  	s15 =	simm.s32 $0x13600;
	s21 =	sadd.s32 $0x64000, s13  }
0x289: {  	[hbm4b:s21+s25] =	stream.strided.scatter [tilespmem:s15], [sflag:$0x4], $0x1000, s26, s25, $0x38;
	[tilespmem:$0x1E600] =	vst v63  }
0x28a: {  	s24 =	simm.s32 $0x14600;
	s23 =	sadd.s32 $0xC8000, s13  }
0x28b: {  	[hbm4b:s23+s25] =	stream.strided.scatter [tilespmem:s24], [sflag:$0x4], $0x1000, s26, s25, $0x38;
	[tilespmem:$0x1E600] =	vst v63  }
0x28c: {  	s19 =	sadd.s32 $0x12C000, s13;
	s21 =	simm.s32 $0x15600  }
0x28d: {  	[hbm4b:s19+s25] =	stream.strided.scatter [tilespmem:s21], [sflag:$0x4], $0x1000, s26, s25, $0x38;
	[tilespmem:$0x1E600] =	vst v63  }
0x28e: {  	s23 =	sadd.s32 $0x190000, s13;
	s24 =	simm.s32 $0x16600  }
0x28f: {  	[hbm4b:s23+s25] =	stream.strided.scatter [tilespmem:s24], [sflag:$0x4], $0x1000, s26, s25, $0x38;
	[tilespmem:$0x1E600] =	vst v63  }
0x290: {  	s19 =	sadd.s32 $0x1F4000, s13;
	s21 =	simm.s32 $0x17600  }
0x291: {  	[hbm4b:s19+s25] =	stream.strided.scatter [tilespmem:s21], [sflag:$0x4], $0x1000, s26, s25, $0x38;
	[tilespmem:$0x1E600] =	vst v63  }
0x292: {  	s23 =	sadd.s32 $0x258000, s13;
	s24 =	simm.s32 $0x18600  }
0x293: {  	[hbm4b:s23+s25] =	stream.strided.scatter [tilespmem:s24], [sflag:$0x4], $0x1000, s26, s25, $0x38;
	[tilespmem:$0x1E600] =	vst v63  }
0x294: {  	s19 =	sadd.s32 $0x2BC000, s13;
	s21 =	simm.s32 $0x19600  }
0x295: {  	[hbm4b:s19+s25] =	stream.strided.scatter [tilespmem:s21], [sflag:$0x4], $0x1000, s26, s25, $0x38;
	[tilespmem:$0x1E600] =	vst v63  }
0x296: {  	s22 =	sadd.s32 $0x1, s22;
	s23 =	sadd.s32 $0x320000, s13;
	s24 =	simm.s32 $0x1A600  }
0x297: {  	[hbm4b:s23+s25] =	stream.strided.scatter [tilespmem:s24], [sflag:$0x4], $0x1000, s26, s25, $0x38;
	[tilespmem:$0x1E600] =	vst v63  }
0x298: {  	p0 =	sne.s32 s22, $0xC;
	s15 =	sadd.s32 $0x384000, s13;
	s19 =	simm.s32 $0x1B600  }
0x299: {  	[hbm4b:s15+s25] =	stream.strided.scatter [tilespmem:s19], [sflag:$0x4], $0x1000, s26, s25, $0x38;
	[tilespmem:$0x1E600] =	vst v63  }
.Ltmp2:
0x29a: {  	_ = 	snop;
	(pc) =	sbr.rel @p0 .LBB2_2-.Ltmp2, $4  }
0x29b: {  	s21 =	sadd.s32 $0x3E8000, s13;
	s23 =	simm.s32 $0x1C600  }
0x29c: {  	[hbm4b:s21+s25] =	stream.strided.scatter [tilespmem:s23], [sflag:$0x4], $0x1000, s26, s25, $0x38;
	[tilespmem:$0x1E600] =	vst v63  }
0x29d: {  	s13 =	sadd.s32 $0x44C000, s13;
	s24 =	simm.s32 $0x1D600  }
0x29e: {  	[hbm4b:s13+s25] =	stream.strided.scatter [tilespmem:s24], [sflag:$0x4], $0x1000, s26, s25, $0x38;
	[tilespmem:$0x1E600] =	vst v63  }
0x29f: {  	_ =	swait.ge [sflag:s12], $0x3000  }
0x2a0: {  	[sflag:s12] =	ssyncset.done $0x0  }
0x2a1: {  	s21 =	simm.s32 $0x3;
	[sflag:s12] =	ssyncadd.s32 $0xFFFFD000  }
0x2a2: {  	_ =	swait.ge [sflag:s21], $0xC000  }
0x2a3: {  	[sflag:s21] =	ssyncset.done $0x0  }
0x2a4: {  	s19 =	simm.s32 $0x0;
	[sflag:s21] =	ssyncadd.s32 $0xFFFF4000  }
0x2a5: {  	v0 =	vld [tilespmem:s19+$0x670]  }
0x2a6: {  	v1 =	vld [tilespmem:s19+$0x600]  }
0x2a7: {  	v2 =	vld [tilespmem:s19+$0x610]  }
0x2a8: {  	v3 =	vld [tilespmem:s19+$0x620]  }
0x2a9: {  	v4 =	vld [tilespmem:s19+$0x630]  }
0x2aa: {  	v5 =	vld [tilespmem:s19+$0x640]  }
0x2ab: {  	v6 =	vld [tilespmem:s19+$0x650]  }
0x2ac: {  	v7 =	vld [tilespmem:s19+$0x660]  }
0x2ad: {  	v36 =	vld [tilespmem:s19+$0x1670]  }
0x2ae: {  	v51 =	vld [tilespmem:s19+$0x2620]  }
0x2af: {  	v8 =	vld.idx.msk [tilespmem:v0+s3+$0x0], $0xffff  }
0x2b0: {  	v9 =	vld.idx.msk [tilespmem:v1+s3+$0x0], $0xffff  }
0x2b1: {  	v10 =	vld.idx.msk [tilespmem:v2+s3+$0x0], $0xffff  }
0x2b2: {  	v11 =	vld.idx.msk [tilespmem:v3+s3+$0x0], $0xffff  }
0x2b3: {  	v12 =	vld.idx.msk [tilespmem:v4+s3+$0x0], $0xffff  }
0x2b4: {  	v13 =	vld.idx.msk [tilespmem:v5+s3+$0x0], $0xffff  }
0x2b5: {  	v14 =	vld.idx.msk [tilespmem:v6+s3+$0x0], $0xffff  }
0x2b6: {  	v33 =	vld.idx.msk [tilespmem:v7+s3+$0x0], $0xffff;
	[tilespmem:s19+$0x6670] =	vst v8  }
0x2b7: {  	[tilespmem:s19+$0x6600] =	vst v9;
	v8 =	vld.idx.msk [tilespmem:v0+s25+$0x0], $0xffff  }
0x2b8: {  	[tilespmem:s19+$0x6610] =	vst v10;
	v34 =	vld.idx.msk [tilespmem:v1+s25+$0x0], $0xffff  }
0x2b9: {  	[tilespmem:s19+$0x6620] =	vst v11;
	v35 =	vld.idx.msk [tilespmem:v2+s25+$0x0], $0xffff  }
0x2ba: {  	[tilespmem:s19+$0x6640] =	vst v13;
	v15 =	vld.idx.msk [tilespmem:v3+s25+$0x0], $0xffff  }
0x2bb: {  	[tilespmem:s19+$0x6650] =	vst v14;
	v13 =	vld.idx.msk [tilespmem:v5+s25+$0x0], $0xffff  }
0x2bc: {  	[tilespmem:s19+$0x6660] =	vst v33;
	v37 =	vld.idx.msk [tilespmem:v6+s25+$0x0], $0xffff  }
0x2bd: {  	[tilespmem:s19+$0x6630] =	vst v12;
	v38 =	vld.idx.msk [tilespmem:v7+s25+$0x0], $0xffff  }
0x2be: {  	[tilespmem:s19+$0x7670] =	vst v8;
	v8 =	vld.idx.msk [tilespmem:v4+s25+$0x0], $0xffff  }
0x2bf: {  	[tilespmem:s19+$0x7600] =	vst v34;
	v0 =	vld.idx.msk [tilespmem:v0+s31+$0x0], $0xffff  }
0x2c0: {  	[tilespmem:s19+$0x7610] =	vst v35;
	v1 =	vld.idx.msk [tilespmem:v1+s31+$0x0], $0xffff  }
0x2c1: {  	[tilespmem:s19+$0x7620] =	vst v15;
	v2 =	vld.idx.msk [tilespmem:v2+s31+$0x0], $0xffff  }
0x2c2: {  	[tilespmem:s19+$0x7640] =	vst v13;
	v3 =	vld.idx.msk [tilespmem:v3+s31+$0x0], $0xffff  }
0x2c3: {  	[tilespmem:s19+$0x7650] =	vst v37;
	v5 =	vld.idx.msk [tilespmem:v5+s31+$0x0], $0xffff  }
0x2c4: {  	v6 =	vld.idx.msk [tilespmem:v6+s31+$0x0], $0xffff  }
0x2c5: {  	[tilespmem:s19+$0x7630] =	vst v8;
	v8 =	vld [tilespmem:s19+$0x1660]  }
0x2c6: {  	[tilespmem:s19+$0x7660] =	vst v38;
	v4 =	vld.idx.msk [tilespmem:v4+s31+$0x0], $0xffff  }
0x2c7: {  	[tilespmem:s19+$0x8600] =	vst v1;
	v1 =	vld.idx.msk [tilespmem:v7+s31+$0x0], $0xffff  }
0x2c8: {  	[tilespmem:s19+$0x8610] =	vst v2;
	v2 =	vld [tilespmem:s19+$0x1600]  }
0x2c9: {  	[tilespmem:s19+$0x8670] =	vst v0;
	v7 =	vld [tilespmem:s19+$0x1610]  }
0x2ca: {  	[tilespmem:s19+$0x8620] =	vst v3;
	v0 =	vld.idx.msk [tilespmem:v36+s0+$0x0], $0xffff  }
0x2cb: {  	v3 =	vld [tilespmem:s19+$0x1620];
	[tilespmem:s19+$0x8640] =	vst v5  }
0x2cc: {  	[tilespmem:s19+$0x8650] =	vst v6;
	v5 =	vld [tilespmem:s19+$0x1640]  }
0x2cd: {  	v6 =	vld [tilespmem:s19+$0x1650];
	[tilespmem:s19+$0x8630] =	vst v4  }
0x2ce: {  	v4 =	vld [tilespmem:s19+$0x1630];
	[tilespmem:s19+$0x8660] =	vst v1  }
0x2cf: {  	v1 =	vld [tilespmem:s19+$0x2670];
	[tilespmem:s19+$0x9670] =	vst v0  }
0x2d0: {  	v0 =	vld.idx.msk [tilespmem:v36+s10+$0x0], $0xffff  }
0x2d1: {  	v43 =	vld.idx.msk [tilespmem:v8+s0+$0x0], $0xffff  }
0x2d2: {  	v39 =	vld.idx.msk [tilespmem:v2+s0+$0x0], $0xffff  }
0x2d3: {  	v40 =	vld.idx.msk [tilespmem:v7+s0+$0x0], $0xffff  }
0x2d4: {  	v41 =	vld.idx.msk [tilespmem:v3+s0+$0x0], $0xffff  }
0x2d5: {  	v13 =	vld.idx.msk [tilespmem:v5+s0+$0x0], $0xffff  }
0x2d6: {  	v14 =	vld.idx.msk [tilespmem:v6+s0+$0x0], $0xffff;
	[tilespmem:s19+$0xA670] =	vst v0  }
0x2d7: {  	[tilespmem:s19+$0x9660] =	vst v43;
	v0 =	vld.idx.msk [tilespmem:v36+s4+$0x0], $0xffff  }
0x2d8: {  	v42 =	vld.idx.msk [tilespmem:v4+s0+$0x0], $0xffff;
	[tilespmem:s19+$0x9600] =	vst v39  }
0x2d9: {  	[tilespmem:s19+$0x9610] =	vst v40;
	v50 =	vld.idx.msk [tilespmem:v8+s10+$0x0], $0xffff  }
0x2da: {  	[tilespmem:s19+$0x9620] =	vst v41;
	v44 =	vld.idx.msk [tilespmem:v2+s10+$0x0], $0xffff  }
0x2db: {  	[tilespmem:s19+$0x9640] =	vst v13;
	v45 =	vld.idx.msk [tilespmem:v7+s10+$0x0], $0xffff  }
0x2dc: {  	[tilespmem:s19+$0x9650] =	vst v14;
	v46 =	vld.idx.msk [tilespmem:v3+s10+$0x0], $0xffff  }
0x2dd: {  	v49 =	vld.idx.msk [tilespmem:v6+s10+$0x0], $0xffff;
	[tilespmem:s19+$0xB670] =	vst v0  }
0x2de: {  	[tilespmem:s19+$0x9630] =	vst v42;
	v0 =	vld.idx.msk [tilespmem:v1+s5+$0x0], $0xffff  }
0x2df: {  	v47 =	vld.idx.msk [tilespmem:v4+s10+$0x0], $0xffff;
	[tilespmem:s19+$0xA600] =	vst v44  }
0x2e0: {  	[tilespmem:s19+$0xA610] =	vst v45;
	v2 =	vld.idx.msk [tilespmem:v2+s4+$0x0], $0xffff  }
0x2e1: {  	[tilespmem:s19+$0xA620] =	vst v46;
	v7 =	vld.idx.msk [tilespmem:v7+s4+$0x0], $0xffff  }
0x2e2: {  	[tilespmem:s19+$0xA650] =	vst v49;
	v3 =	vld.idx.msk [tilespmem:v3+s4+$0x0], $0xffff  }
0x2e3: {  	[tilespmem:s19+$0xA660] =	vst v50;
	v6 =	vld.idx.msk [tilespmem:v6+s4+$0x0], $0xffff  }
0x2e4: {  	[tilespmem:s19+$0xC670] =	vst v0;
	v0 =	vld.idx.msk [tilespmem:v5+s10+$0x0], $0xffff  }
0x2e5: {  	[tilespmem:s19+$0xA630] =	vst v47;
	v48 =	vld.idx.msk [tilespmem:v1+s6+$0x0], $0xffff  }
0x2e6: {  	v4 =	vld.idx.msk [tilespmem:v4+s4+$0x0], $0xffff;
	[tilespmem:s19+$0xB600] =	vst v2  }
0x2e7: {  	v2 =	vld.idx.msk [tilespmem:v8+s4+$0x0], $0xffff;
	[tilespmem:s19+$0xB610] =	vst v7  }
0x2e8: {  	v7 =	vld [tilespmem:s19+$0x2600];
	[tilespmem:s19+$0xB620] =	vst v3  }
0x2e9: {  	v53 =	vld.idx.msk [tilespmem:v51+s5+$0x0], $0xffff  }
0x2ea: {  	v8 =	vld [tilespmem:s19+$0x2610];
	[tilespmem:s19+$0xA640] =	vst v0  }
0x2eb: {  	[tilespmem:s19+$0xD670] =	vst v48;
	v5 =	vld.idx.msk [tilespmem:v5+s4+$0x0], $0xffff  }
0x2ec: {  	[tilespmem:s19+$0xB630] =	vst v4;
	v4 =	vld [tilespmem:s19+$0x2630]  }
0x2ed: {  	[tilespmem:s19+$0xB650] =	vst v6;
	v0 =	vld.idx.msk [tilespmem:v1+s26+$0x0], $0xffff  }
0x2ee: {  	v6 =	vld [tilespmem:s19+$0x2650];
	[tilespmem:s19+$0xC620] =	vst v53  }
0x2ef: {  	v11 =	vld.idx.msk [tilespmem:v51+s6+$0x0], $0xffff  }
0x2f0: {  	[tilespmem:s19+$0xB660] =	vst v2;
	v2 =	vld.idx.msk [tilespmem:v7+s5+$0x0], $0xffff  }
0x2f1: {  	[tilespmem:s19+$0xB640] =	vst v5;
	v5 =	vld [tilespmem:s19+$0x2640]  }
0x2f2: {  	[tilespmem:s19+$0xE670] =	vst v0;
	v0 =	vld [tilespmem:s19+$0x2660]  }
0x2f3: {  	v3 =	vld.idx.msk [tilespmem:v1+s7+$0x0], $0xffff  }
0x2f4: {  	v52 =	vld.idx.msk [tilespmem:v8+s5+$0x0], $0xffff  }
0x2f5: {  	[tilespmem:s19+$0xD620] =	vst v11;
	v54 =	vld.idx.msk [tilespmem:v4+s5+$0x0], $0xffff  }
0x2f6: {  	[tilespmem:s19+$0xC600] =	vst v2;
	v2 =	vld.idx.msk [tilespmem:v6+s5+$0x0], $0xffff  }
0x2f7: {  	v11 =	vld.idx.msk [tilespmem:v51+s26+$0x0], $0xffff  }
0x2f8: {  	v57 =	vld.idx.msk [tilespmem:v7+s6+$0x0], $0xffff;
	[tilespmem:s19+$0xF670] =	vst v3  }
0x2f9: {  	v3 =	vld.idx.msk [tilespmem:v1+s8+$0x0], $0xffff  }
0x2fa: {  	[tilespmem:s19+$0xC610] =	vst v52;
	v55 =	vld.idx.msk [tilespmem:v5+s5+$0x0], $0xffff  }
0x2fb: {  	[tilespmem:s19+$0xC630] =	vst v54;
	v56 =	vld.idx.msk [tilespmem:v0+s5+$0x0], $0xffff  }
0x2fc: {  	[tilespmem:s19+$0xC650] =	vst v2;
	v12 =	vld.idx.msk [tilespmem:v4+s6+$0x0], $0xffff  }
0x2fd: {  	[tilespmem:s19+$0xE620] =	vst v11;
	v58 =	vld.idx.msk [tilespmem:v6+s6+$0x0], $0xffff  }
0x2fe: {  	[tilespmem:s19+$0xD600] =	vst v57;
	v11 =	vld.idx.msk [tilespmem:v51+s7+$0x0], $0xffff  }
0x2ff: {  	[tilespmem:s19+$0x10670] =	vst v3;
	v3 =	vld.idx.msk [tilespmem:v8+s6+$0x0], $0xffff  }
0x300: {  	[tilespmem:s19+$0xC640] =	vst v55;
	v1 =	vld.idx.msk [tilespmem:v1+s9+$0x0], $0xffff  }
0x301: {  	v2 =	vld.idx.msk [tilespmem:v5+s6+$0x0], $0xffff;
	[tilespmem:s19+$0xC660] =	vst v56  }
0x302: {  	[tilespmem:s19+$0xD630] =	vst v12;
	v59 =	vld.idx.msk [tilespmem:v0+s6+$0x0], $0xffff  }
0x303: {  	[tilespmem:s19+$0xD650] =	vst v58;
	v12 =	vld.idx.msk [tilespmem:v4+s26+$0x0], $0xffff  }
0x304: {  	v10 =	vld.idx.msk [tilespmem:v6+s26+$0x0], $0xffff;
	[tilespmem:s19+$0xD610] =	vst v3  }
0x305: {  	[tilespmem:s19+$0x11670] =	vst v1;
	v1 =	vld.idx.msk [tilespmem:v7+s26+$0x0], $0xffff  }
0x306: {  	[tilespmem:s19+$0xF620] =	vst v11;
	v3 =	vld.idx.msk [tilespmem:v8+s26+$0x0], $0xffff  }
0x307: {  	v11 =	vld.idx.msk [tilespmem:v51+s8+$0x0], $0xffff;
	[tilespmem:s19+$0xD640] =	vst v2  }
0x308: {  	v2 =	vld.idx.msk [tilespmem:v5+s26+$0x0], $0xffff;
	[tilespmem:s19+$0xE630] =	vst v12  }
0x309: {  	[tilespmem:s19+$0xD660] =	vst v59;
	v12 =	vld.idx.msk [tilespmem:v4+s7+$0x0], $0xffff  }
0x30a: {  	[tilespmem:s19+$0xE600] =	vst v1;
	v1 =	vld.idx.msk [tilespmem:v0+s26+$0x0], $0xffff  }
0x30b: {  	[tilespmem:s19+$0xE610] =	vst v3;
	v60 =	vld.idx.msk [tilespmem:v7+s7+$0x0], $0xffff  }
0x30c: {  	[tilespmem:s19+$0xE650] =	vst v10;
	v3 =	vld.idx.msk [tilespmem:v8+s7+$0x0], $0xffff  }
0x30d: {  	v10 =	vld.idx.msk [tilespmem:v6+s7+$0x0], $0xffff;
	[tilespmem:s19+$0xE640] =	vst v2  }
0x30e: {  	v2 =	vld.idx.msk [tilespmem:v5+s7+$0x0], $0xffff;
	[tilespmem:s19+$0xF630] =	vst v12  }
0x30f: {  	v12 =	vld.idx.msk [tilespmem:v4+s8+$0x0], $0xffff;
	[tilespmem:s19+$0xE660] =	vst v1  }
0x310: {  	[tilespmem:s19+$0xF600] =	vst v60;
	v1 =	vld.idx.msk [tilespmem:v0+s7+$0x0], $0xffff  }
0x311: {  	[tilespmem:s19+$0xF610] =	vst v3;
	v13 =	vld.idx.msk [tilespmem:v7+s8+$0x0], $0xffff  }
0x312: {  	[tilespmem:s19+$0xF650] =	vst v10;
	v61 =	vld.idx.msk [tilespmem:v8+s8+$0x0], $0xffff  }
0x313: {  	[tilespmem:s19+$0x10620] =	vst v11;
	v10 =	vld.idx.msk [tilespmem:v6+s8+$0x0], $0xffff  }
0x314: {  	[tilespmem:s19+$0xF640] =	vst v2;
	v2 =	vld.idx.msk [tilespmem:v51+s9+$0x0], $0xffff  }
0x315: {  	v62 =	vld.idx.msk [tilespmem:v5+s8+$0x0], $0xffff;
	[tilespmem:s19+$0xF660] =	vst v1  }
0x316: {  	[tilespmem:s19+$0x10600] =	vst v13;
	v63 =	vld.idx.msk [tilespmem:v0+s8+$0x0], $0xffff  }
0x317: {  	[tilespmem:s19+$0x10610] =	vst v61;
	v3 =	vld.idx.msk [tilespmem:v7+s9+$0x0], $0xffff  }
0x318: {  	[tilespmem:s19+$0x10630] =	vst v12;
	v1 =	vld.idx.msk [tilespmem:v8+s9+$0x0], $0xffff  }
0x319: {  	[tilespmem:s19+$0x10650] =	vst v10;
	v4 =	vld.idx.msk [tilespmem:v4+s9+$0x0], $0xffff  }
0x31a: {  	v6 =	vld.idx.msk [tilespmem:v6+s9+$0x0], $0xffff;
	[tilespmem:s19+$0x10640] =	vst v62  }
0x31b: {  	s13 =	simm.s32 $0x0;
	s14 =	simm.s32 $0x200;
	v5 =	vld.idx.msk [tilespmem:v5+s9+$0x0], $0xffff;
	[tilespmem:s19+$0x10660] =	vst v63  }
.LBB2_8:
0x31c: {  	s15 =	sshra.s32 s14, $0x2;
	s13 =	sadd.s32 $0x8, s13;
	[tilespmem:s19+$0x11600] =	vst v3;
	v0 =	vld.idx.msk [tilespmem:v0+s9+$0x0], $0xffff  }
0x31d: {  	v3 =	vld [tilespmem:s15+$0x670];
	p0 =	slt.u32 s13, $0xF8;
	[tilespmem:s19+$0x11610] =	vst v1  }
0x31e: {  	v1 =	vld [tilespmem:s15+$0x600];
	[tilespmem:s19+$0x11620] =	vst v2  }
0x31f: {  	v2 =	vld [tilespmem:s15+$0x610];
	[tilespmem:s19+$0x11630] =	vst v4  }
0x320: {  	v4 =	vld [tilespmem:s15+$0x620];
	[tilespmem:s19+$0x11640] =	vst v5  }
0x321: {  	v5 =	vld [tilespmem:s15+$0x630];
	[tilespmem:s19+$0x11650] =	vst v6  }
0x322: {  	v6 =	vld [tilespmem:s15+$0x640];
	[tilespmem:s19+$0x11660] =	vst v0;
	s19 =	smov.u32 s15  }
0x323: {  	v0 =	vld [tilespmem:s19+$0x650]  }
0x324: {  	v7 =	vld [tilespmem:s19+$0x660]  }
0x325: {  	v8 =	vld.idx.msk [tilespmem:v3+s3+$0x0], $0xffff  }
0x326: {  	v9 =	vld.idx.msk [tilespmem:v1+s3+$0x0], $0xffff  }
0x327: {  	v10 =	vld.idx.msk [tilespmem:v2+s3+$0x0], $0xffff  }
0x328: {  	v11 =	vld.idx.msk [tilespmem:v4+s3+$0x0], $0xffff  }
0x329: {  	v12 =	vld.idx.msk [tilespmem:v5+s3+$0x0], $0xffff  }
0x32a: {  	v13 =	vld.idx.msk [tilespmem:v6+s3+$0x0], $0xffff  }
0x32b: {  	v14 =	vld.idx.msk [tilespmem:v0+s3+$0x0], $0xffff;
	[tilespmem:s19+$0x6670] =	vst v8  }
0x32c: {  	[tilespmem:s19+$0x6600] =	vst v9;
	v8 =	vld.idx.msk [tilespmem:v3+s25+$0x0], $0xffff  }
0x32d: {  	[tilespmem:s19+$0x6610] =	vst v10;
	v9 =	vld.idx.msk [tilespmem:v7+s3+$0x0], $0xffff  }
0x32e: {  	v10 =	vld.idx.msk [tilespmem:v1+s25+$0x0], $0xffff;
	[tilespmem:s19+$0x6620] =	vst v11  }
0x32f: {  	v11 =	vld.idx.msk [tilespmem:v2+s25+$0x0], $0xffff;
	[tilespmem:s19+$0x6630] =	vst v12  }
0x330: {  	v12 =	vld.idx.msk [tilespmem:v4+s25+$0x0], $0xffff;
	[tilespmem:s19+$0x6640] =	vst v13  }
0x331: {  	v13 =	vld.idx.msk [tilespmem:v5+s25+$0x0], $0xffff;
	[tilespmem:s19+$0x6650] =	vst v14  }
0x332: {  	v14 =	vld [tilespmem:s19+$0x1670];
	[tilespmem:s19+$0x7670] =	vst v8  }
0x333: {  	[tilespmem:s19+$0x6660] =	vst v9;
	v3 =	vld.idx.msk [tilespmem:v3+s31+$0x0], $0xffff  }
0x334: {  	[tilespmem:s19+$0x7600] =	vst v10;
	v8 =	vld.idx.msk [tilespmem:v6+s25+$0x0], $0xffff  }
0x335: {  	[tilespmem:s19+$0x7610] =	vst v11;
	v9 =	vld.idx.msk [tilespmem:v0+s25+$0x0], $0xffff  }
0x336: {  	[tilespmem:s19+$0x7620] =	vst v12;
	v10 =	vld.idx.msk [tilespmem:v7+s25+$0x0], $0xffff  }
0x337: {  	v1 =	vld.idx.msk [tilespmem:v1+s31+$0x0], $0xffff;
	[tilespmem:s19+$0x7630] =	vst v13  }
0x338: {  	v2 =	vld.idx.msk [tilespmem:v2+s31+$0x0], $0xffff  }
0x339: {  	v4 =	vld.idx.msk [tilespmem:v4+s31+$0x0], $0xffff;
	[tilespmem:s19+$0x8670] =	vst v3  }
0x33a: {  	[tilespmem:s19+$0x7640] =	vst v8;
	v3 =	vld.idx.msk [tilespmem:v14+s0+$0x0], $0xffff  }
0x33b: {  	v5 =	vld.idx.msk [tilespmem:v5+s31+$0x0], $0xffff;
	[tilespmem:s19+$0x7650] =	vst v9  }
0x33c: {  	v6 =	vld.idx.msk [tilespmem:v6+s31+$0x0], $0xffff;
	[tilespmem:s19+$0x7660] =	vst v10  }
0x33d: {  	[tilespmem:s19+$0x8600] =	vst v1;
	v0 =	vld.idx.msk [tilespmem:v0+s31+$0x0], $0xffff  }
0x33e: {  	[tilespmem:s19+$0x8610] =	vst v2;
	v1 =	vld.idx.msk [tilespmem:v7+s31+$0x0], $0xffff  }
0x33f: {  	v2 =	vld [tilespmem:s19+$0x1600];
	[tilespmem:s19+$0x8620] =	vst v4  }
0x340: {  	v4 =	vld [tilespmem:s19+$0x1610];
	[tilespmem:s19+$0x9670] =	vst v3  }
0x341: {  	[tilespmem:s19+$0x8630] =	vst v5;
	v3 =	vld.idx.msk [tilespmem:v14+s10+$0x0], $0xffff  }
0x342: {  	v5 =	vld [tilespmem:s19+$0x1620];
	[tilespmem:s19+$0x8640] =	vst v6  }
0x343: {  	v6 =	vld [tilespmem:s19+$0x1630];
	[tilespmem:s19+$0x8650] =	vst v0  }
0x344: {  	v0 =	vld [tilespmem:s19+$0x1640];
	[tilespmem:s19+$0x8660] =	vst v1  }
0x345: {  	v1 =	vld [tilespmem:s19+$0x1650]  }
0x346: {  	v7 =	vld [tilespmem:s19+$0x1660]  }
0x347: {  	v8 =	vld [tilespmem:s19+$0x2670];
	[tilespmem:s19+$0xA670] =	vst v3  }
0x348: {  	v3 =	vld.idx.msk [tilespmem:v14+s4+$0x0], $0xffff  }
0x349: {  	v9 =	vld.idx.msk [tilespmem:v2+s0+$0x0], $0xffff  }
0x34a: {  	v10 =	vld.idx.msk [tilespmem:v4+s0+$0x0], $0xffff  }
0x34b: {  	v11 =	vld.idx.msk [tilespmem:v5+s0+$0x0], $0xffff  }
0x34c: {  	v12 =	vld.idx.msk [tilespmem:v6+s0+$0x0], $0xffff  }
0x34d: {  	v13 =	vld.idx.msk [tilespmem:v0+s0+$0x0], $0xffff  }
0x34e: {  	v14 =	vld.idx.msk [tilespmem:v1+s0+$0x0], $0xffff;
	[tilespmem:s19+$0xB670] =	vst v3  }
0x34f: {  	[tilespmem:s19+$0x9600] =	vst v9;
	v3 =	vld.idx.msk [tilespmem:v8+s5+$0x0], $0xffff  }
0x350: {  	[tilespmem:s19+$0x9610] =	vst v10;
	v9 =	vld.idx.msk [tilespmem:v7+s0+$0x0], $0xffff  }
0x351: {  	v10 =	vld.idx.msk [tilespmem:v2+s10+$0x0], $0xffff;
	[tilespmem:s19+$0x9620] =	vst v11  }
0x352: {  	v11 =	vld.idx.msk [tilespmem:v4+s10+$0x0], $0xffff;
	[tilespmem:s19+$0x9630] =	vst v12  }
0x353: {  	v12 =	vld.idx.msk [tilespmem:v5+s10+$0x0], $0xffff;
	[tilespmem:s19+$0x9640] =	vst v13  }
0x354: {  	v13 =	vld.idx.msk [tilespmem:v6+s10+$0x0], $0xffff;
	[tilespmem:s19+$0x9650] =	vst v14  }
0x355: {  	v14 =	vld.idx.msk [tilespmem:v0+s10+$0x0], $0xffff;
	[tilespmem:s19+$0xC670] =	vst v3  }
0x356: {  	[tilespmem:s19+$0x9660] =	vst v9;
	v3 =	vld.idx.msk [tilespmem:v8+s6+$0x0], $0xffff  }
0x357: {  	[tilespmem:s19+$0xA600] =	vst v10;
	v9 =	vld.idx.msk [tilespmem:v1+s10+$0x0], $0xffff  }
0x358: {  	[tilespmem:s19+$0xA610] =	vst v11;
	v10 =	vld.idx.msk [tilespmem:v7+s10+$0x0], $0xffff  }
0x359: {  	v2 =	vld.idx.msk [tilespmem:v2+s4+$0x0], $0xffff;
	[tilespmem:s19+$0xA620] =	vst v12  }
0x35a: {  	v4 =	vld.idx.msk [tilespmem:v4+s4+$0x0], $0xffff;
	[tilespmem:s19+$0xA630] =	vst v13  }
0x35b: {  	v5 =	vld.idx.msk [tilespmem:v5+s4+$0x0], $0xffff;
	[tilespmem:s19+$0xA640] =	vst v14  }
0x35c: {  	v6 =	vld.idx.msk [tilespmem:v6+s4+$0x0], $0xffff;
	[tilespmem:s19+$0xD670] =	vst v3  }
0x35d: {  	[tilespmem:s19+$0xA650] =	vst v9;
	v3 =	vld.idx.msk [tilespmem:v8+s26+$0x0], $0xffff  }
0x35e: {  	v0 =	vld.idx.msk [tilespmem:v0+s4+$0x0], $0xffff;
	[tilespmem:s19+$0xA660] =	vst v10  }
0x35f: {  	[tilespmem:s19+$0xB600] =	vst v2;
	v1 =	vld.idx.msk [tilespmem:v1+s4+$0x0], $0xffff  }
0x360: {  	[tilespmem:s19+$0xB610] =	vst v4;
	v2 =	vld.idx.msk [tilespmem:v7+s4+$0x0], $0xffff  }
0x361: {  	v4 =	vld [tilespmem:s19+$0x2600];
	[tilespmem:s19+$0xB620] =	vst v5  }
0x362: {  	v5 =	vld [tilespmem:s19+$0x2610];
	[tilespmem:s19+$0xB630] =	vst v6  }
0x363: {  	v6 =	vld [tilespmem:s19+$0x2620];
	[tilespmem:s19+$0xE670] =	vst v3  }
0x364: {  	[tilespmem:s19+$0xB640] =	vst v0;
	v3 =	vld.idx.msk [tilespmem:v8+s7+$0x0], $0xffff  }
0x365: {  	v7 =	vld [tilespmem:s19+$0x2630];
	[tilespmem:s19+$0xB650] =	vst v1  }
0x366: {  	v9 =	vld [tilespmem:s19+$0x2640];
	[tilespmem:s19+$0xB660] =	vst v2  }
0x367: {  	v10 =	vld [tilespmem:s19+$0x2650]  }
0x368: {  	v0 =	vld [tilespmem:s19+$0x2660]  }
0x369: {  	v1 =	vld.idx.msk [tilespmem:v4+s5+$0x0], $0xffff  }
0x36a: {  	v2 =	vld.idx.msk [tilespmem:v5+s5+$0x0], $0xffff;
	[tilespmem:s19+$0xF670] =	vst v3  }
0x36b: {  	v3 =	vld.idx.msk [tilespmem:v8+s8+$0x0], $0xffff  }
0x36c: {  	v11 =	vld.idx.msk [tilespmem:v6+s5+$0x0], $0xffff  }
0x36d: {  	v12 =	vld.idx.msk [tilespmem:v7+s5+$0x0], $0xffff  }
0x36e: {  	v13 =	vld.idx.msk [tilespmem:v9+s5+$0x0], $0xffff  }
0x36f: {  	[tilespmem:s19+$0xC600] =	vst v1;
	v1 =	vld.idx.msk [tilespmem:v10+s5+$0x0], $0xffff  }
0x370: {  	[tilespmem:s19+$0xC610] =	vst v2;
	v2 =	vld.idx.msk [tilespmem:v0+s5+$0x0], $0xffff  }
0x371: {  	v14 =	vld.idx.msk [tilespmem:v4+s6+$0x0], $0xffff;
	[tilespmem:s19+$0x10670] =	vst v3  }
0x372: {  	[tilespmem:s19+$0xC620] =	vst v11;
	v3 =	vld.idx.msk [tilespmem:v8+s9+$0x0], $0xffff  }
0x373: {  	v8 =	vld.idx.msk [tilespmem:v5+s6+$0x0], $0xffff;
	[tilespmem:s19+$0xC630] =	vst v12  }
0x374: {  	v11 =	vld.idx.msk [tilespmem:v6+s6+$0x0], $0xffff;
	[tilespmem:s19+$0xC640] =	vst v13  }
0x375: {  	v12 =	vld.idx.msk [tilespmem:v7+s6+$0x0], $0xffff;
	[tilespmem:s19+$0xC650] =	vst v1  }
0x376: {  	v1 =	vld.idx.msk [tilespmem:v9+s6+$0x0], $0xffff;
	[tilespmem:s19+$0xC660] =	vst v2  }
0x377: {  	[tilespmem:s19+$0xD600] =	vst v14;
	v2 =	vld.idx.msk [tilespmem:v10+s6+$0x0], $0xffff  }
0x378: {  	v13 =	vld.idx.msk [tilespmem:v0+s6+$0x0], $0xffff;
	[tilespmem:s19+$0x11670] =	vst v3  }
0x379: {  	v3 =	vld.idx.msk [tilespmem:v4+s26+$0x0], $0xffff;
	[tilespmem:s19+$0xD610] =	vst v8  }
0x37a: {  	v8 =	vld.idx.msk [tilespmem:v5+s26+$0x0], $0xffff;
	[tilespmem:s19+$0xD620] =	vst v11  }
0x37b: {  	v11 =	vld.idx.msk [tilespmem:v6+s26+$0x0], $0xffff;
	[tilespmem:s19+$0xD630] =	vst v12  }
0x37c: {  	v12 =	vld.idx.msk [tilespmem:v7+s26+$0x0], $0xffff;
	[tilespmem:s19+$0xD640] =	vst v1  }
0x37d: {  	v1 =	vld.idx.msk [tilespmem:v9+s26+$0x0], $0xffff;
	[tilespmem:s19+$0xD650] =	vst v2  }
0x37e: {  	v2 =	vld.idx.msk [tilespmem:v10+s26+$0x0], $0xffff;
	[tilespmem:s19+$0xD660] =	vst v13  }
0x37f: {  	[tilespmem:s19+$0xE600] =	vst v3;
	v3 =	vld.idx.msk [tilespmem:v0+s26+$0x0], $0xffff  }
0x380: {  	v13 =	vld.idx.msk [tilespmem:v4+s7+$0x0], $0xffff;
	[tilespmem:s19+$0xE610] =	vst v8  }
0x381: {  	v8 =	vld.idx.msk [tilespmem:v5+s7+$0x0], $0xffff;
	[tilespmem:s19+$0xE620] =	vst v11  }
0x382: {  	v11 =	vld.idx.msk [tilespmem:v6+s7+$0x0], $0xffff;
	[tilespmem:s19+$0xE630] =	vst v12  }
0x383: {  	v12 =	vld.idx.msk [tilespmem:v7+s7+$0x0], $0xffff;
	[tilespmem:s19+$0xE640] =	vst v1  }
0x384: {  	v1 =	vld.idx.msk [tilespmem:v9+s7+$0x0], $0xffff;
	[tilespmem:s19+$0xE650] =	vst v2  }
0x385: {  	v2 =	vld.idx.msk [tilespmem:v10+s7+$0x0], $0xffff;
	[tilespmem:s19+$0xE660] =	vst v3  }
0x386: {  	[tilespmem:s19+$0xF600] =	vst v13;
	v3 =	vld.idx.msk [tilespmem:v0+s7+$0x0], $0xffff  }
0x387: {  	v13 =	vld.idx.msk [tilespmem:v4+s8+$0x0], $0xffff;
	[tilespmem:s19+$0xF610] =	vst v8  }
0x388: {  	v8 =	vld.idx.msk [tilespmem:v5+s8+$0x0], $0xffff;
	[tilespmem:s19+$0xF620] =	vst v11  }
0x389: {  	v11 =	vld.idx.msk [tilespmem:v6+s8+$0x0], $0xffff;
	[tilespmem:s19+$0xF630] =	vst v12  }
0x38a: {  	v12 =	vld.idx.msk [tilespmem:v7+s8+$0x0], $0xffff;
	[tilespmem:s19+$0xF640] =	vst v1  }
0x38b: {  	v14 =	vld.idx.msk [tilespmem:v9+s8+$0x0], $0xffff;
	[tilespmem:s19+$0xF650] =	vst v2  }
0x38c: {  	v15 =	vld.idx.msk [tilespmem:v10+s8+$0x0], $0xffff;
	[tilespmem:s19+$0xF660] =	vst v3  }
0x38d: {  	[tilespmem:s19+$0x10600] =	vst v13;
	v13 =	vld.idx.msk [tilespmem:v0+s8+$0x0], $0xffff  }
0x38e: {  	v3 =	vld.idx.msk [tilespmem:v4+s9+$0x0], $0xffff;
	[tilespmem:s19+$0x10610] =	vst v8  }
.Ltmp3:
0x38f: {  	v1 =	vld.idx.msk [tilespmem:v5+s9+$0x0], $0xffff;
	[tilespmem:s19+$0x10620] =	vst v11;
	(pc) =	sbr.rel @p0 .LBB2_8-.Ltmp3, $4  }
0x390: {  	v2 =	vld.idx.msk [tilespmem:v6+s9+$0x0], $0xffff;
	[tilespmem:s19+$0x10630] =	vst v12  }
0x391: {  	v4 =	vld.idx.msk [tilespmem:v7+s9+$0x0], $0xffff;
	[tilespmem:s19+$0x10640] =	vst v14  }
0x392: {  	v5 =	vld.idx.msk [tilespmem:v9+s9+$0x0], $0xffff;
	[tilespmem:s19+$0x10650] =	vst v15  }
0x393: {  	s14 =	sadd.s32 $0x200, s14;
	v6 =	vld.idx.msk [tilespmem:v10+s9+$0x0], $0xffff;
	[tilespmem:s19+$0x10660] =	vst v13  }
0x394: {  	_ =	sdelay $0x2  }
0x395: {  	[tilespmem:s19+$0x11600] =	vst v3  }
0x396: {  	v0 =	vld.idx.msk [tilespmem:v0+s9+$0x0], $0xffff;
	[tilespmem:s19+$0x11610] =	vst v1  }
0x397: {  	[tilespmem:s19+$0x11620] =	vst v2  }
0x398: {  	[tilespmem:s19+$0x11630] =	vst v4  }
0x399: {  	[tilespmem:s19+$0x11640] =	vst v5  }
0x39a: {  	[tilespmem:s19+$0x11650] =	vst v6  }
0x39b: {  	[tilespmem:s19+$0x11660] =	vst v0  }
0x39c: {  	s13 =	simm.s32 $0x6600;
	s14 =	rddreg [dreg:$0x11]  }
0x39d: {  	[hbm4b:s14+s25] =	stream.strided.scatter [tilespmem:s13], [sflag:$0x3], $0x1000, s26, s25, $0x38;
	[tilespmem:$0x1E600] =	vst v63  }
0x39e: {  	s15 =	simm.s32 $0x7600;
	s22 =	sadd.s32 $0x64000, s14  }
0x39f: {  	[hbm4b:s22+s25] =	stream.strided.scatter [tilespmem:s15], [sflag:$0x3], $0x1000, s26, s25, $0x38;
	[tilespmem:$0x1E600] =	vst v63  }
0x3a0: {  	s24 =	simm.s32 $0x8600;
	s23 =	sadd.s32 $0xC8000, s14  }
0x3a1: {  	[hbm4b:s23+s25] =	stream.strided.scatter [tilespmem:s24], [sflag:$0x3], $0x1000, s26, s25, $0x38;
	[tilespmem:$0x1E600] =	vst v63  }
0x3a2: {  	s19 =	sadd.s32 $0x12C000, s14;
	s22 =	simm.s32 $0x9600  }
0x3a3: {  	[hbm4b:s19+s25] =	stream.strided.scatter [tilespmem:s22], [sflag:$0x3], $0x1000, s26, s25, $0x38;
	[tilespmem:$0x1E600] =	vst v63  }
0x3a4: {  	s23 =	sadd.s32 $0x190000, s14;
	s24 =	simm.s32 $0xA600  }
0x3a5: {  	[hbm4b:s23+s25] =	stream.strided.scatter [tilespmem:s24], [sflag:$0x3], $0x1000, s26, s25, $0x38;
	[tilespmem:$0x1E600] =	vst v63  }
0x3a6: {  	s19 =	sadd.s32 $0x1F4000, s14;
	s22 =	simm.s32 $0xB600  }
0x3a7: {  	[hbm4b:s19+s25] =	stream.strided.scatter [tilespmem:s22], [sflag:$0x3], $0x1000, s26, s25, $0x38;
	[tilespmem:$0x1E600] =	vst v63  }
0x3a8: {  	s23 =	sadd.s32 $0x258000, s14;
	s24 =	simm.s32 $0xC600  }
0x3a9: {  	[hbm4b:s23+s25] =	stream.strided.scatter [tilespmem:s24], [sflag:$0x3], $0x1000, s26, s25, $0x38;
	[tilespmem:$0x1E600] =	vst v63  }
0x3aa: {  	s19 =	sadd.s32 $0x2BC000, s14;
	s22 =	simm.s32 $0xD600  }
0x3ab: {  	[hbm4b:s19+s25] =	stream.strided.scatter [tilespmem:s22], [sflag:$0x3], $0x1000, s26, s25, $0x38;
	[tilespmem:$0x1E600] =	vst v63  }
0x3ac: {  	s23 =	sadd.s32 $0x320000, s14;
	s24 =	simm.s32 $0xE600  }
0x3ad: {  	[hbm4b:s23+s25] =	stream.strided.scatter [tilespmem:s24], [sflag:$0x3], $0x1000, s26, s25, $0x38;
	[tilespmem:$0x1E600] =	vst v63  }
0x3ae: {  	s15 =	sadd.s32 $0x384000, s14  }
0x3af: {  	[hbm4b:s15+s25] =	stream.strided.scatter [tilespmem:s28], [sflag:$0x3], $0x1000, s26, s25, $0x38;
	[tilespmem:$0x1E600] =	vst v63  }
0x3b0: {  	s19 =	sadd.s32 $0x3E8000, s14  }
0x3b1: {  	[hbm4b:s19+s25] =	stream.strided.scatter [tilespmem:s29], [sflag:$0x3], $0x1000, s26, s25, $0x38;
	[tilespmem:$0x1E600] =	vst v63  }
0x3b2: {  	s22 =	sadd.s32 $0x44C000, s14  }
0x3b3: {  	[hbm4b:s22+s25] =	stream.strided.scatter [tilespmem:s30], [sflag:$0x3], $0x1000, s26, s25, $0x38;
	[tilespmem:$0x1E600] =	vst v63  }
0x3b4: {  	_ =	swait.ge [sflag:s11], $0xC000  }
0x3b5: {  	[sflag:s11] =	ssyncset.done $0x0  }
0x3b6: {  	[sflag:s11] =	ssyncadd.s32 $0xFFFF4000  }
0x3b7: {  	_ =	swait.ge [sflag:s21], $0xC000  }
0x3b8: {  	s23 =	rddreg [dreg:$0x15]  }
0x3b9: {  	s24 =	rddreg [dreg:$0x12];
	s14 =	sadd.s32 $0x1, s23  }
0x3ba: {  	p0 =	sne.s32 s14, s24  }
.Ltmp4:
0x3bb: {  	_ = 	snop;
	(pc) =	sbr.rel @p0 .LBB2_1-.Ltmp4, $3  }
0x3bc: {  	_ =	sdelay $0x1  }
0x3bd: {  	[sflag:s21] =	ssyncset.done $0x0  }
0x3be: {  	[sflag:s21] =	ssyncadd.s32 $0xFFFF4000  }
0x3bf: {  	_ =	sfence.sel $0x180000  }
0x3c0: {  	[bflag:$0x0] =	sbarrier.arrive $0xFFFF  }
0x3c1: {  	_ =	strace $0x90000047  }
0x3c2: {  	s0 =	stileid.u32;
	[bflag:$0x2] =	sbarrier.arrive $0xFFFF  }
0x3c3: {  	p0 =	sne.s32 s0, $0x0;
	s0 =	rddreg [dreg:$0x3]  }
0x3c4: {  	s0 =	sadd.s32 @!p0 $0x100000, s0  }
0x3c5: {  	[sflag:s0] =	ssyncadd.tile.s32 @!p0 $0x1;
	_ =	shalt  }
.Lfunc_end2:
_tile_overlayer_lowered:
.L_overlay_start_2:
0x3c6: {  	(tag) =	ssettag $0x2  }
0x3c7: {  	s0 =	rddreg [dreg:$0x0];
	s2 =	stileid.u32  }
0x3c8: {  	s1 =	rddreg [dreg:$0x1];
	p0 =	sne.s32 s2, $0x0  }
0x3c9: {  	s3 =	rddreg [dreg:$0x2];
	[bflag:$0x3] =	sbarrier.arrive $0xFFFF;
	s2 =	simm.s32 @!p0 $0x1C05  }
0x3ca: {  	[timem:s3], [sflag:s2] =	dma.local @!p0 [hbm:s0], s1  }
0x3cb: {  	s0 =	simm.s32 @!p0 $0x5  }
0x3cc: {  	_ =	swait.ge @!p0 [sflag:s0], s1  }
0x3cd: {  	s1 =	ssub.s32 @!p0 $0x0, s1;
	[sflag:s0] =	ssyncset.done @!p0 $0x0  }
0x3ce: {  	[sflag:s0] =	ssyncadd.s32 @!p0 s1  }
0x3cf: {  	[bflag:$0x3] =	sbarrier.arrive $0xFFFF  }
0x3d0: {  	_ =	shalt  }

</sc_bundles>
